<compile_context>
chip_gen: v7x
topology: tpu7x:2x2x1
jax: 0.10.2.dev20260603
libtpu: 0.0.44.dev20260713+nightly
codegen_flags: <defaults>
</compile_context>

<pallas_src>
import functools

import jax
import jax.numpy as jnp
from jax import lax
from jax.experimental import pallas as pl
from jax.experimental.pallas import tpu as pltpu
from jax.experimental.pallas import tpu_sc as plsc

_EMBED_DIM = 128
_FINAL_DIM = 128
_QUERY_LEN = 200

_L = 16
_NV = _EMBED_DIM // _L
_NW = 16
_CPW = 16
_KPW = _FINAL_DIM // _NW

_mesh = plsc.VectorSubcoreMesh(core_axis_name="c", subcore_axis_name="s",
                               num_cores=1)


@functools.partial(
    pl.kernel,
    mesh=_mesh,
    out_type=jax.ShapeDtypeStruct((_FINAL_DIM,), jnp.float32),
    scratch_types=[
        pltpu.VMEM((_NW * _CPW,), jnp.int32),
        pltpu.VMEM((_CPW, _EMBED_DIM), jnp.float32),
        pltpu.VMEM((_KPW, _EMBED_DIM), jnp.float32),
        pltpu.VMEM((_EMBED_DIM,), jnp.float32),
        pltpu.VMEM((_NW, _EMBED_DIM), jnp.float32),
        pltpu.VMEM((_L,), jnp.float32),
        pltpu.VMEM_SHARED((_NW, _EMBED_DIM), jnp.float32),
        pltpu.SemaphoreType.DMA,
        pltpu.SemaphoreType.DMA,
        pltpu.SemaphoreType.DMA,
    ],
)
def _qi_kernel(query_hbm, table_hbm, w_hbm, out_hbm,
               qfull_v, rows_v, w_rows, svec_v, sall_v, out_buf,
               shared, sem_w, sem_g, sem_g2):
    wid = lax.axis_index("s")
    zero = jnp.zeros((_L,), jnp.float32)
    lanes = lax.iota(jnp.int32, _L)
    izero = jnp.zeros((_L,), jnp.int32)

    cp_w = pltpu.async_copy(w_hbm.at[pl.ds(wid * _KPW, _KPW)], w_rows, sem_w)

    for t in range(_QUERY_LEN // _L, _NW):
        qfull_v[pl.ds(t * _L, _L)] = izero
    pltpu.sync_copy(query_hbm, qfull_v.at[pl.ds(0, _QUERY_LEN)])
    half = _CPW // 2
    cp_g1 = pltpu.async_copy(
        table_hbm.at[qfull_v.at[pl.ds(wid * _CPW, half)]],
        rows_v.at[pl.ds(0, half)], sem_g)
    cp_g2 = pltpu.async_copy(
        table_hbm.at[qfull_v.at[pl.ds(wid * _CPW + half, half)]],
        rows_v.at[pl.ds(half, half)], sem_g2)

    cp_g1.wait()
    accs = [zero] * _NV
    for c in range(half):
        for j in range(_NV):
            accs[j] = accs[j] + rows_v[c, pl.ds(j * _L, _L)]
    cp_g2.wait()
    for c in range(half, _CPW):
        for j in range(_NV):
            accs[j] = accs[j] + rows_v[c, pl.ds(j * _L, _L)]

    corr = jnp.where(wid == 12, -8.0,
                     jnp.where(wid > 12, jnp.float32(-_CPW), 0.0))
    for j in range(_NV):
        accs[j] = accs[j] + corr * rows_v[_CPW - 1, pl.ds(j * _L, _L)]
        svec_v[pl.ds(j * _L, _L)] = accs[j]

    s = accs

    cp_w.wait()
    outv = zero
    for k in range(_KPW):
        p = s[0] * w_rows[k, pl.ds(0, _L)]
        for j in range(1, _NV):
            p = p + s[j] * w_rows[k, pl.ds(j * _L, _L)]
        for sh in (8, 4, 2, 1):
            p = p + p.at[lanes ^ sh].get(mode="promise_in_bounds")
        outv = jnp.where(lanes == k, p, outv)
    out_buf[...] = outv

    pltpu.sync_copy(out_buf.at[pl.ds(0, _KPW)],
                    out_hbm.at[pl.ds(wid * _KPW, _KPW)])


def kernel(query, table, W):
    return _qi_kernel(query.astype(jnp.int32), table, W)

# --- scband reference (transcript-rebuilt; emitter-appended) ---
"""Pipeline reference for scband-quantity-interpreter-v1-1864015806926 (READ-ONLY COPY).

The authoritative reference and input builder live on the scoring server;
editing this copy changes nothing except your own understanding.
"""

import jax, jax.numpy as jnp
import numpy as np

CHAR_VOCAB = 128  # CHAR_MAX_VALUE + 1
EMBED_DIM = 128
FINAL_DIM = 128
QUERY_LEN = 200


def setup_inputs(seed: int = 0) -> dict:
    key = jax.random.key(seed)
    k1, k2, k3 = jax.random.split(key, 3)
    query = jax.random.randint(k1, (QUERY_LEN,), 0, CHAR_VOCAB, dtype=jnp.int64 if jax.config.jax_enable_x64 else jnp.int32)
    # learned params sized per init_kwargs
    table = jax.random.normal(k2, (CHAR_VOCAB, EMBED_DIM), dtype=jnp.float32)  # nn.Embedding weight
    W = jax.random.uniform(k3, (EMBED_DIM, FINAL_DIM), dtype=jnp.float32)      # linear_combiner
    return {"query": query, "table": table, "W": W}


def reference(query, table, W):
    # embedded_query = char_embedding(query.data)  -> [C, E]
    emb = jnp.take(table, query, axis=0)
    # torch.einsum('ce,ke->k', embedded_query, linear_combiner)
    # NOTE: requires embedding_dim == final_dim for the einsum to typecheck,
    # matching the original module's implicit constraint.
    out = jnp.einsum('ce,ke->k', emb, W)
    return out

if __name__ == "__main__":
    import jax
    _d = setup_inputs()
    print(jax.jit(kernel)(*tuple(_d.values())))

</pallas_src>

<mosaic_0001>
#map = affine_map<(d0, d1) -> (0)>
#map1 = affine_map<(d0, d1) -> (0, 0)>
module attributes {stable_mosaic.version = 14 : i64} {
  func.func @_qi_kernel(%arg0: i32, %arg1: i32, %arg2: memref<200xi32, #tpu.memory_space<hbm>>, %arg3: memref<128x128xf32, #tpu.memory_space<hbm>>, %arg4: memref<128x128xf32, #tpu.memory_space<hbm>>, %arg5: memref<128xf32, #tpu.memory_space<hbm>>, %arg6: memref<256xi32, #tpu.memory_space<vmem>>, %arg7: memref<16x128xf32, #tpu.memory_space<vmem>>, %arg8: memref<8x128xf32, #tpu.memory_space<vmem>>, %arg9: memref<128xf32, #tpu.memory_space<vmem>>, %arg10: memref<16x128xf32, #tpu.memory_space<vmem>>, %arg11: memref<16xf32, #tpu.memory_space<vmem>>, %arg12: memref<16x128xf32, #tpu.memory_space<vmem_shared>>, %arg13: memref<!tpu.dma_semaphore, #tpu.memory_space<semaphore_mem>>, %arg14: memref<!tpu.dma_semaphore, #tpu.memory_space<semaphore_mem>>, %arg15: memref<!tpu.dma_semaphore, #tpu.memory_space<semaphore_mem>>) attributes {dimension_semantics = [#tpu.dimension_semantics<core_parallel>, #tpu.dimension_semantics<subcore_parallel>], iteration_bounds = array<i64: 1, 16>, scalar_prefetch = 0 : i64, scratch_operands = 10 : i64, tpu.core_type = #tpu.core_type<sc_vector_subcore>, window_params = [{transform_indices = #map}, {transform_indices = #map1}, {transform_indices = #map1}, {transform_indices = #map}]} {
    %broadcast_in_dim3A = arith.constant 0.000000e+00 : f32
    %broadcast_in_dim3A_0 = vector.broadcast %broadcast_in_dim3A : f32 to vector<16xf32>
    %iota3A = tpu.iota {dimensions = array<i32: 0>} : vector<16xi32>
    %broadcast_in_dim3A_1 = arith.constant 0 : i32
    %broadcast_in_dim3A_2 = vector.broadcast %broadcast_in_dim3A_1 : i32 to vector<16xi32>
    %mul3A = arith.constant 8 : i32
    %mul3A_3 = arith.muli %arg1, %mul3A : i32
    %dma_start3A = arith.constant 0 : i32
    %dma_start3A_4 = tpu.memref_slice %arg4[%mul3A_3, %dma_start3A] : memref<128x128xf32, #tpu.memory_space<hbm>> -> memref<8x128xf32, #tpu.memory_space<hbm>>
    %dma_start3A_5 = arith.constant 0 : i32
    %dma_start3A_6 = tpu.memref_slice %arg4[%mul3A_3, %dma_start3A_5] : memref<128x128xf32, #tpu.memory_space<hbm>> -> memref<8x128xf32, #tpu.memory_space<hbm>>
    tpu.enqueue_dma source(%dma_start3A_6 : memref<8x128xf32, #tpu.memory_space<hbm>>) target(%arg8 : memref<8x128xf32, #tpu.memory_space<vmem>>) target_semaphore(%arg13 : memref<!tpu.dma_semaphore, #tpu.memory_space<semaphore_mem>>)
    %swap3A = arith.constant 192 : index
    %swap3A_7 = tpu.vector_load %arg6[%swap3A] {strides = array<i32>} : memref<256xi32, #tpu.memory_space<vmem>>, vector<16xi32>,
    %swap3A_8 = vector.shape_cast %swap3A_7 : vector<16xi32> to vector<16xi32>
    %swap3A_9 = vector.shape_cast %broadcast_in_dim3A_2 : vector<16xi32> to vector<16xi32>
    tpu.vector_store %arg6[%swap3A], %swap3A_9 {strides = array<i32>} : memref<256xi32, #tpu.memory_space<vmem>>, vector<16xi32>,
    %swap3A_10 = arith.constant 208 : index
    %swap3A_11 = tpu.vector_load %arg6[%swap3A_10] {strides = array<i32>} : memref<256xi32, #tpu.memory_space<vmem>>, vector<16xi32>,
    %swap3A_12 = vector.shape_cast %swap3A_11 : vector<16xi32> to vector<16xi32>
    %swap3A_13 = vector.shape_cast %broadcast_in_dim3A_2 : vector<16xi32> to vector<16xi32>
    tpu.vector_store %arg6[%swap3A_10], %swap3A_13 {strides = array<i32>} : memref<256xi32, #tpu.memory_space<vmem>>, vector<16xi32>,
    %swap3A_14 = arith.constant 224 : index
    %swap3A_15 = tpu.vector_load %arg6[%swap3A_14] {strides = array<i32>} : memref<256xi32, #tpu.memory_space<vmem>>, vector<16xi32>,
    %swap3A_16 = vector.shape_cast %swap3A_15 : vector<16xi32> to vector<16xi32>
    %swap3A_17 = vector.shape_cast %broadcast_in_dim3A_2 : vector<16xi32> to vector<16xi32>
    tpu.vector_store %arg6[%swap3A_14], %swap3A_17 {strides = array<i32>} : memref<256xi32, #tpu.memory_space<vmem>>, vector<16xi32>,
    %swap3A_18 = arith.constant 240 : index
    %swap3A_19 = tpu.vector_load %arg6[%swap3A_18] {strides = array<i32>} : memref<256xi32, #tpu.memory_space<vmem>>, vector<16xi32>,
    %swap3A_20 = vector.shape_cast %swap3A_19 : vector<16xi32> to vector<16xi32>
    %swap3A_21 = vector.shape_cast %broadcast_in_dim3A_2 : vector<16xi32> to vector<16xi32>
    tpu.vector_store %arg6[%swap3A_18], %swap3A_21 {strides = array<i32>} : memref<256xi32, #tpu.memory_space<vmem>>, vector<16xi32>,
    "tpu.region"() ({
      %run_scoped3A = tpu.sem_alloc : memref<!tpu.dma_semaphore, #tpu.memory_space<semaphore_mem>>
      %dma_start3A_1849 = arith.constant 0 : i32
      %dma_start3A_1850 = tpu.memref_slice %arg6[%dma_start3A_1849] : memref<256xi32, #tpu.memory_space<vmem>> -> memref<200xi32, #tpu.memory_space<vmem>>
      %dma_start3A_1851 = arith.constant 0 : i32
      %dma_start3A_1852 = tpu.memref_slice %arg6[%dma_start3A_1851] : memref<256xi32, #tpu.memory_space<vmem>> -> memref<200xi32, #tpu.memory_space<vmem>>
      tpu.enqueue_dma source(%arg2 : memref<200xi32, #tpu.memory_space<hbm>>) target(%dma_start3A_1852 : memref<200xi32, #tpu.memory_space<vmem>>) target_semaphore(%run_scoped3A : memref<!tpu.dma_semaphore, #tpu.memory_space<semaphore_mem>>)
      %dma_wait3A_1853 = arith.constant 0 : i32
      %dma_wait3A_1854 = tpu.memref_slice %arg6[%dma_wait3A_1853] : memref<256xi32, #tpu.memory_space<vmem>> -> memref<200xi32, #tpu.memory_space<vmem>>
      %dma_wait3A_1855 = arith.constant 0 : i32
      %dma_wait3A_1856 = tpu.memref_slice %arg6[%dma_wait3A_1855] : memref<256xi32, #tpu.memory_space<vmem>> -> memref<200xi32, #tpu.memory_space<vmem>>
      tpu.wait_dma2 semaphore(%run_scoped3A : memref<!tpu.dma_semaphore, #tpu.memory_space<semaphore_mem>>) src(%arg2 : memref<200xi32, #tpu.memory_space<hbm>>) dst(%dma_wait3A_1856 : memref<200xi32, #tpu.memory_space<vmem>>)
      tpu.yield
    }) : () -> ()
    %mul3A_22 = arith.constant 16 : i32
    %mul3A_23 = arith.muli %arg1, %mul3A_22 : i32
    %dma_start3A_24 = arith.constant 0 : i32
    %dma_start3A_25 = arith.constant 0 : i32
    %dma_start3A_26 = tpu.memref_slice %arg7[%dma_start3A_24, %dma_start3A_25] : memref<16x128xf32, #tpu.memory_space<vmem>> -> memref<8x128xf32, #tpu.memory_space<vmem>>
    %dma_start3A_27 = tpu.memref_slice %arg6[%mul3A_23] : memref<256xi32, #tpu.memory_space<vmem>> -> memref<8xi32, #tpu.memory_space<vmem>>
    %dma_start3A_28 = arith.constant 0 : i32
    %dma_start3A_29 = arith.constant 0 : i32
    %dma_start3A_30 = tpu.memref_slice %arg3[%dma_start3A_28, %dma_start3A_29] : memref<128x128xf32, #tpu.memory_space<hbm>> -> memref<128x128xf32, #tpu.memory_space<hbm>>
    tpu.enqueue_indirect_dma source(%dma_start3A_30 : memref<128x128xf32, #tpu.memory_space<hbm>>) target(%dma_start3A_26 : memref<8x128xf32, #tpu.memory_space<vmem>>) offsets(%dma_start3A_27 : memref<8xi32, #tpu.memory_space<vmem>>) semaphore(%arg14 : memref<!tpu.dma_semaphore, #tpu.memory_space<semaphore_mem>>)
    %mul3A_31 = arith.constant 16 : i32
    %mul3A_32 = arith.muli %arg1, %mul3A_31 : i32
    %add3A = arith.constant 8 : i32
    %add3A_33 = arith.addi %mul3A_32, %add3A : i32
    %dma_start3A_34 = arith.constant 8 : i32
    %dma_start3A_35 = arith.constant 0 : i32
    %dma_start3A_36 = tpu.memref_slice %arg7[%dma_start3A_34, %dma_start3A_35] : memref<16x128xf32, #tpu.memory_space<vmem>> -> memref<8x128xf32, #tpu.memory_space<vmem>>
    %dma_start3A_37 = tpu.memref_slice %arg6[%add3A_33] : memref<256xi32, #tpu.memory_space<vmem>> -> memref<8xi32, #tpu.memory_space<vmem>>
    %dma_start3A_38 = arith.constant 0 : i32
    %dma_start3A_39 = arith.constant 0 : i32
    %dma_start3A_40 = tpu.memref_slice %arg3[%dma_start3A_38, %dma_start3A_39] : memref<128x128xf32, #tpu.memory_space<hbm>> -> memref<128x128xf32, #tpu.memory_space<hbm>>
    tpu.enqueue_indirect_dma source(%dma_start3A_40 : memref<128x128xf32, #tpu.memory_space<hbm>>) target(%dma_start3A_36 : memref<8x128xf32, #tpu.memory_space<vmem>>) offsets(%dma_start3A_37 : memref<8xi32, #tpu.memory_space<vmem>>) semaphore(%arg15 : memref<!tpu.dma_semaphore, #tpu.memory_space<semaphore_mem>>)
    %dma_wait3A = arith.constant 0 : i32
    %dma_wait3A_41 = arith.constant 0 : i32
    %dma_wait3A_42 = tpu.memref_slice %arg7[%dma_wait3A, %dma_wait3A_41] : memref<16x128xf32, #tpu.memory_space<vmem>> -> memref<8x128xf32, #tpu.memory_space<vmem>>
    %dma_wait3A_43 = tpu.memref_slice %arg6[%mul3A_23] : memref<256xi32, #tpu.memory_space<vmem>> -> memref<8xi32, #tpu.memory_space<vmem>>
    %dma_wait3A_44 = arith.constant 0 : i32
    %dma_wait3A_45 = arith.constant 0 : i32
    %dma_wait3A_46 = tpu.memref_slice %arg3[%dma_wait3A_44, %dma_wait3A_45] : memref<128x128xf32, #tpu.memory_space<hbm>> -> memref<128x128xf32, #tpu.memory_space<hbm>>
    tpu.wait_indirect_dma semaphore(%arg14 : memref<!tpu.dma_semaphore, #tpu.memory_space<semaphore_mem>>) src(%dma_wait3A_46 : memref<128x128xf32, #tpu.memory_space<hbm>>) dst(%dma_wait3A_42 : memref<8x128xf32, #tpu.memory_space<vmem>>)
    %get3A = arith.constant 0 : i32
    %get3A_47 = arith.index_cast %get3A : i32 to index
    %get3A_48 = arith.constant 0 : index
    %get3A_49 = tpu.vector_load %arg7[%get3A_47, %get3A_48] {strides = array<i32>} : memref<16x128xf32, #tpu.memory_space<vmem>>, vector<1x16xf32>,
    %get3A_50 = vector.shape_cast %get3A_49 : vector<1x16xf32> to vector<16xf32>
    %add3A_51 = arith.addf %broadcast_in_dim3A_0, %get3A_50 : vector<16xf32>
    %get3A_52 = arith.constant 0 : i32
    %get3A_53 = arith.index_cast %get3A_52 : i32 to index
    %get3A_54 = arith.constant 16 : index
    %get3A_55 = tpu.vector_load %arg7[%get3A_53, %get3A_54] {strides = array<i32>} : memref<16x128xf32, #tpu.memory_space<vmem>>, vector<1x16xf32>,
    %get3A_56 = vector.shape_cast %get3A_55 : vector<1x16xf32> to vector<16xf32>
    %add3A_57 = arith.addf %broadcast_in_dim3A_0, %get3A_56 : vector<16xf32>
    %get3A_58 = arith.constant 0 : i32
    %get3A_59 = arith.index_cast %get3A_58 : i32 to index
    %get3A_60 = arith.constant 32 : index
    %get3A_61 = tpu.vector_load %arg7[%get3A_59, %get3A_60] {strides = array<i32>} : memref<16x128xf32, #tpu.memory_space<vmem>>, vector<1x16xf32>,
    %get3A_62 = vector.shape_cast %get3A_61 : vector<1x16xf32> to vector<16xf32>
    %add3A_63 = arith.addf %broadcast_in_dim3A_0, %get3A_62 : vector<16xf32>
    %get3A_64 = arith.constant 0 : i32
    %get3A_65 = arith.index_cast %get3A_64 : i32 to index
    %get3A_66 = arith.constant 48 : index
    %get3A_67 = tpu.vector_load %arg7[%get3A_65, %get3A_66] {strides = array<i32>} : memref<16x128xf32, #tpu.memory_space<vmem>>, vector<1x16xf32>,
    %get3A_68 = vector.shape_cast %get3A_67 : vector<1x16xf32> to vector<16xf32>
    %add3A_69 = arith.addf %broadcast_in_dim3A_0, %get3A_68 : vector<16xf32>
    %get3A_70 = arith.constant 0 : i32
    %get3A_71 = arith.index_cast %get3A_70 : i32 to index
    %get3A_72 = arith.constant 64 : index
    %get3A_73 = tpu.vector_load %arg7[%get3A_71, %get3A_72] {strides = array<i32>} : memref<16x128xf32, #tpu.memory_space<vmem>>, vector<1x16xf32>,
    %get3A_74 = vector.shape_cast %get3A_73 : vector<1x16xf32> to vector<16xf32>
    %add3A_75 = arith.addf %broadcast_in_dim3A_0, %get3A_74 : vector<16xf32>
    %get3A_76 = arith.constant 0 : i32
    %get3A_77 = arith.index_cast %get3A_76 : i32 to index
    %get3A_78 = arith.constant 80 : index
    %get3A_79 = tpu.vector_load %arg7[%get3A_77, %get3A_78] {strides = array<i32>} : memref<16x128xf32, #tpu.memory_space<vmem>>, vector<1x16xf32>,
    %get3A_80 = vector.shape_cast %get3A_79 : vector<1x16xf32> to vector<16xf32>
    %add3A_81 = arith.addf %broadcast_in_dim3A_0, %get3A_80 : vector<16xf32>
    %get3A_82 = arith.constant 0 : i32
    %get3A_83 = arith.index_cast %get3A_82 : i32 to index
    %get3A_84 = arith.constant 96 : index
    %get3A_85 = tpu.vector_load %arg7[%get3A_83, %get3A_84] {strides = array<i32>} : memref<16x128xf32, #tpu.memory_space<vmem>>, vector<1x16xf32>,
    %get3A_86 = vector.shape_cast %get3A_85 : vector<1x16xf32> to vector<16xf32>
    %add3A_87 = arith.addf %broadcast_in_dim3A_0, %get3A_86 : vector<16xf32>
    %get3A_88 = arith.constant 0 : i32
    %get3A_89 = arith.index_cast %get3A_88 : i32 to index
    %get3A_90 = arith.constant 112 : index
    %get3A_91 = tpu.vector_load %arg7[%get3A_89, %get3A_90] {strides = array<i32>} : memref<16x128xf32, #tpu.memory_space<vmem>>, vector<1x16xf32>,
    %get3A_92 = vector.shape_cast %get3A_91 : vector<1x16xf32> to vector<16xf32>
    %add3A_93 = arith.addf %broadcast_in_dim3A_0, %get3A_92 : vector<16xf32>
    %get3A_94 = arith.constant 1 : i32
    %get3A_95 = arith.index_cast %get3A_94 : i32 to index
    %get3A_96 = arith.constant 0 : index
    %get3A_97 = tpu.vector_load %arg7[%get3A_95, %get3A_96] {strides = array<i32>} : memref<16x128xf32, #tpu.memory_space<vmem>>, vector<1x16xf32>,
    %get3A_98 = vector.shape_cast %get3A_97 : vector<1x16xf32> to vector<16xf32>
    %add3A_99 = arith.addf %add3A_51, %get3A_98 : vector<16xf32>
    %get3A_100 = arith.constant 1 : i32
    %get3A_101 = arith.index_cast %get3A_100 : i32 to index
    %get3A_102 = arith.constant 16 : index
    %get3A_103 = tpu.vector_load %arg7[%get3A_101, %get3A_102] {strides = array<i32>} : memref<16x128xf32, #tpu.memory_space<vmem>>, vector<1x16xf32>,
    %get3A_104 = vector.shape_cast %get3A_103 : vector<1x16xf32> to vector<16xf32>
    %add3A_105 = arith.addf %add3A_57, %get3A_104 : vector<16xf32>
    %get3A_106 = arith.constant 1 : i32
    %get3A_107 = arith.index_cast %get3A_106 : i32 to index
    %get3A_108 = arith.constant 32 : index
    %get3A_109 = tpu.vector_load %arg7[%get3A_107, %get3A_108] {strides = array<i32>} : memref<16x128xf32, #tpu.memory_space<vmem>>, vector<1x16xf32>,
    %get3A_110 = vector.shape_cast %get3A_109 : vector<1x16xf32> to vector<16xf32>
    %add3A_111 = arith.addf %add3A_63, %get3A_110 : vector<16xf32>
    %get3A_112 = arith.constant 1 : i32
    %get3A_113 = arith.index_cast %get3A_112 : i32 to index
    %get3A_114 = arith.constant 48 : index
    %get3A_115 = tpu.vector_load %arg7[%get3A_113, %get3A_114] {strides = array<i32>} : memref<16x128xf32, #tpu.memory_space<vmem>>, vector<1x16xf32>,
    %get3A_116 = vector.shape_cast %get3A_115 : vector<1x16xf32> to vector<16xf32>
    %add3A_117 = arith.addf %add3A_69, %get3A_116 : vector<16xf32>
    %get3A_118 = arith.constant 1 : i32
    %get3A_119 = arith.index_cast %get3A_118 : i32 to index
    %get3A_120 = arith.constant 64 : index
    %get3A_121 = tpu.vector_load %arg7[%get3A_119, %get3A_120] {strides = array<i32>} : memref<16x128xf32, #tpu.memory_space<vmem>>, vector<1x16xf32>,
    %get3A_122 = vector.shape_cast %get3A_121 : vector<1x16xf32> to vector<16xf32>
    %add3A_123 = arith.addf %add3A_75, %get3A_122 : vector<16xf32>
    %get3A_124 = arith.constant 1 : i32
    %get3A_125 = arith.index_cast %get3A_124 : i32 to index
    %get3A_126 = arith.constant 80 : index
    %get3A_127 = tpu.vector_load %arg7[%get3A_125, %get3A_126] {strides = array<i32>} : memref<16x128xf32, #tpu.memory_space<vmem>>, vector<1x16xf32>,
    %get3A_128 = vector.shape_cast %get3A_127 : vector<1x16xf32> to vector<16xf32>
    %add3A_129 = arith.addf %add3A_81, %get3A_128 : vector<16xf32>
    %get3A_130 = arith.constant 1 : i32
    %get3A_131 = arith.index_cast %get3A_130 : i32 to index
    %get3A_132 = arith.constant 96 : index
    %get3A_133 = tpu.vector_load %arg7[%get3A_131, %get3A_132] {strides = array<i32>} : memref<16x128xf32, #tpu.memory_space<vmem>>, vector<1x16xf32>,
    %get3A_134 = vector.shape_cast %get3A_133 : vector<1x16xf32> to vector<16xf32>
    %add3A_135 = arith.addf %add3A_87, %get3A_134 : vector<16xf32>
    %get3A_136 = arith.constant 1 : i32
    %get3A_137 = arith.index_cast %get3A_136 : i32 to index
    %get3A_138 = arith.constant 112 : index
    %get3A_139 = tpu.vector_load %arg7[%get3A_137, %get3A_138] {strides = array<i32>} : memref<16x128xf32, #tpu.memory_space<vmem>>, vector<1x16xf32>,
    %get3A_140 = vector.shape_cast %get3A_139 : vector<1x16xf32> to vector<16xf32>
    %add3A_141 = arith.addf %add3A_93, %get3A_140 : vector<16xf32>
    %get3A_142 = arith.constant 2 : i32
    %get3A_143 = arith.index_cast %get3A_142 : i32 to index
    %get3A_144 = arith.constant 0 : index
    %get3A_145 = tpu.vector_load %arg7[%get3A_143, %get3A_144] {strides = array<i32>} : memref<16x128xf32, #tpu.memory_space<vmem>>, vector<1x16xf32>,
    %get3A_146 = vector.shape_cast %get3A_145 : vector<1x16xf32> to vector<16xf32>
    %add3A_147 = arith.addf %add3A_99, %get3A_146 : vector<16xf32>
    %get3A_148 = arith.constant 2 : i32
    %get3A_149 = arith.index_cast %get3A_148 : i32 to index
    %get3A_150 = arith.constant 16 : index
    %get3A_151 = tpu.vector_load %arg7[%get3A_149, %get3A_150] {strides = array<i32>} : memref<16x128xf32, #tpu.memory_space<vmem>>, vector<1x16xf32>,
    %get3A_152 = vector.shape_cast %get3A_151 : vector<1x16xf32> to vector<16xf32>
    %add3A_153 = arith.addf %add3A_105, %get3A_152 : vector<16xf32>
    %get3A_154 = arith.constant 2 : i32
    %get3A_155 = arith.index_cast %get3A_154 : i32 to index
    %get3A_156 = arith.constant 32 : index
    %get3A_157 = tpu.vector_load %arg7[%get3A_155, %get3A_156] {strides = array<i32>} : memref<16x128xf32, #tpu.memory_space<vmem>>, vector<1x16xf32>,
    %get3A_158 = vector.shape_cast %get3A_157 : vector<1x16xf32> to vector<16xf32>
    %add3A_159 = arith.addf %add3A_111, %get3A_158 : vector<16xf32>
    %get3A_160 = arith.constant 2 : i32
    %get3A_161 = arith.index_cast %get3A_160 : i32 to index
    %get3A_162 = arith.constant 48 : index
    %get3A_163 = tpu.vector_load %arg7[%get3A_161, %get3A_162] {strides = array<i32>} : memref<16x128xf32, #tpu.memory_space<vmem>>, vector<1x16xf32>,
    %get3A_164 = vector.shape_cast %get3A_163 : vector<1x16xf32> to vector<16xf32>
    %add3A_165 = arith.addf %add3A_117, %get3A_164 : vector<16xf32>
    %get3A_166 = arith.constant 2 : i32
    %get3A_167 = arith.index_cast %get3A_166 : i32 to index
    %get3A_168 = arith.constant 64 : index
    %get3A_169 = tpu.vector_load %arg7[%get3A_167, %get3A_168] {strides = array<i32>} : memref<16x128xf32, #tpu.memory_space<vmem>>, vector<1x16xf32>,
    %get3A_170 = vector.shape_cast %get3A_169 : vector<1x16xf32> to vector<16xf32>
    %add3A_171 = arith.addf %add3A_123, %get3A_170 : vector<16xf32>
    %get3A_172 = arith.constant 2 : i32
    %get3A_173 = arith.index_cast %get3A_172 : i32 to index
    %get3A_174 = arith.constant 80 : index
    %get3A_175 = tpu.vector_load %arg7[%get3A_173, %get3A_174] {strides = array<i32>} : memref<16x128xf32, #tpu.memory_space<vmem>>, vector<1x16xf32>,
    %get3A_176 = vector.shape_cast %get3A_175 : vector<1x16xf32> to vector<16xf32>
    %add3A_177 = arith.addf %add3A_129, %get3A_176 : vector<16xf32>
    %get3A_178 = arith.constant 2 : i32
    %get3A_179 = arith.index_cast %get3A_178 : i32 to index
    %get3A_180 = arith.constant 96 : index
    %get3A_181 = tpu.vector_load %arg7[%get3A_179, %get3A_180] {strides = array<i32>} : memref<16x128xf32, #tpu.memory_space<vmem>>, vector<1x16xf32>,
    %get3A_182 = vector.shape_cast %get3A_181 : vector<1x16xf32> to vector<16xf32>
    %add3A_183 = arith.addf %add3A_135, %get3A_182 : vector<16xf32>
    %get3A_184 = arith.constant 2 : i32
    %get3A_185 = arith.index_cast %get3A_184 : i32 to index
    %get3A_186 = arith.constant 112 : index
    %get3A_187 = tpu.vector_load %arg7[%get3A_185, %get3A_186] {strides = array<i32>} : memref<16x128xf32, #tpu.memory_space<vmem>>, vector<1x16xf32>,
    %get3A_188 = vector.shape_cast %get3A_187 : vector<1x16xf32> to vector<16xf32>
    %add3A_189 = arith.addf %add3A_141, %get3A_188 : vector<16xf32>
    %get3A_190 = arith.constant 3 : i32
    %get3A_191 = arith.index_cast %get3A_190 : i32 to index
    %get3A_192 = arith.constant 0 : index
    %get3A_193 = tpu.vector_load %arg7[%get3A_191, %get3A_192] {strides = array<i32>} : memref<16x128xf32, #tpu.memory_space<vmem>>, vector<1x16xf32>,
    %get3A_194 = vector.shape_cast %get3A_193 : vector<1x16xf32> to vector<16xf32>
    %add3A_195 = arith.addf %add3A_147, %get3A_194 : vector<16xf32>
    %get3A_196 = arith.constant 3 : i32
    %get3A_197 = arith.index_cast %get3A_196 : i32 to index
    %get3A_198 = arith.constant 16 : index
    %get3A_199 = tpu.vector_load %arg7[%get3A_197, %get3A_198] {strides = array<i32>} : memref<16x128xf32, #tpu.memory_space<vmem>>, vector<1x16xf32>,
    %get3A_200 = vector.shape_cast %get3A_199 : vector<1x16xf32> to vector<16xf32>
    %add3A_201 = arith.addf %add3A_153, %get3A_200 : vector<16xf32>
    %get3A_202 = arith.constant 3 : i32
    %get3A_203 = arith.index_cast %get3A_202 : i32 to index
    %get3A_204 = arith.constant 32 : index
    %get3A_205 = tpu.vector_load %arg7[%get3A_203, %get3A_204] {strides = array<i32>} : memref<16x128xf32, #tpu.memory_space<vmem>>, vector<1x16xf32>,
    %get3A_206 = vector.shape_cast %get3A_205 : vector<1x16xf32> to vector<16xf32>
    %add3A_207 = arith.addf %add3A_159, %get3A_206 : vector<16xf32>
    %get3A_208 = arith.constant 3 : i32
    %get3A_209 = arith.index_cast %get3A_208 : i32 to index
    %get3A_210 = arith.constant 48 : index
    %get3A_211 = tpu.vector_load %arg7[%get3A_209, %get3A_210] {strides = array<i32>} : memref<16x128xf32, #tpu.memory_space<vmem>>, vector<1x16xf32>,
    %get3A_212 = vector.shape_cast %get3A_211 : vector<1x16xf32> to vector<16xf32>
    %add3A_213 = arith.addf %add3A_165, %get3A_212 : vector<16xf32>
    %get3A_214 = arith.constant 3 : i32
    %get3A_215 = arith.index_cast %get3A_214 : i32 to index
    %get3A_216 = arith.constant 64 : index
    %get3A_217 = tpu.vector_load %arg7[%get3A_215, %get3A_216] {strides = array<i32>} : memref<16x128xf32, #tpu.memory_space<vmem>>, vector<1x16xf32>,
    %get3A_218 = vector.shape_cast %get3A_217 : vector<1x16xf32> to vector<16xf32>
    %add3A_219 = arith.addf %add3A_171, %get3A_218 : vector<16xf32>
    %get3A_220 = arith.constant 3 : i32
    %get3A_221 = arith.index_cast %get3A_220 : i32 to index
    %get3A_222 = arith.constant 80 : index
    %get3A_223 = tpu.vector_load %arg7[%get3A_221, %get3A_222] {strides = array<i32>} : memref<16x128xf32, #tpu.memory_space<vmem>>, vector<1x16xf32>,
    %get3A_224 = vector.shape_cast %get3A_223 : vector<1x16xf32> to vector<16xf32>
    %add3A_225 = arith.addf %add3A_177, %get3A_224 : vector<16xf32>
    %get3A_226 = arith.constant 3 : i32
    %get3A_227 = arith.index_cast %get3A_226 : i32 to index
    %get3A_228 = arith.constant 96 : index
    %get3A_229 = tpu.vector_load %arg7[%get3A_227, %get3A_228] {strides = array<i32>} : memref<16x128xf32, #tpu.memory_space<vmem>>, vector<1x16xf32>,
    %get3A_230 = vector.shape_cast %get3A_229 : vector<1x16xf32> to vector<16xf32>
    %add3A_231 = arith.addf %add3A_183, %get3A_230 : vector<16xf32>
    %get3A_232 = arith.constant 3 : i32
    %get3A_233 = arith.index_cast %get3A_232 : i32 to index
    %get3A_234 = arith.constant 112 : index
    %get3A_235 = tpu.vector_load %arg7[%get3A_233, %get3A_234] {strides = array<i32>} : memref<16x128xf32, #tpu.memory_space<vmem>>, vector<1x16xf32>,
    %get3A_236 = vector.shape_cast %get3A_235 : vector<1x16xf32> to vector<16xf32>
    %add3A_237 = arith.addf %add3A_189, %get3A_236 : vector<16xf32>
    %get3A_238 = arith.constant 4 : i32
    %get3A_239 = arith.index_cast %get3A_238 : i32 to index
    %get3A_240 = arith.constant 0 : index
    %get3A_241 = tpu.vector_load %arg7[%get3A_239, %get3A_240] {strides = array<i32>} : memref<16x128xf32, #tpu.memory_space<vmem>>, vector<1x16xf32>,
    %get3A_242 = vector.shape_cast %get3A_241 : vector<1x16xf32> to vector<16xf32>
    %add3A_243 = arith.addf %add3A_195, %get3A_242 : vector<16xf32>
    %get3A_244 = arith.constant 4 : i32
    %get3A_245 = arith.index_cast %get3A_244 : i32 to index
    %get3A_246 = arith.constant 16 : index
    %get3A_247 = tpu.vector_load %arg7[%get3A_245, %get3A_246] {strides = array<i32>} : memref<16x128xf32, #tpu.memory_space<vmem>>, vector<1x16xf32>,
    %get3A_248 = vector.shape_cast %get3A_247 : vector<1x16xf32> to vector<16xf32>
    %add3A_249 = arith.addf %add3A_201, %get3A_248 : vector<16xf32>
    %get3A_250 = arith.constant 4 : i32
    %get3A_251 = arith.index_cast %get3A_250 : i32 to index
    %get3A_252 = arith.constant 32 : index
    %get3A_253 = tpu.vector_load %arg7[%get3A_251, %get3A_252] {strides = array<i32>} : memref<16x128xf32, #tpu.memory_space<vmem>>, vector<1x16xf32>,
    %get3A_254 = vector.shape_cast %get3A_253 : vector<1x16xf32> to vector<16xf32>
    %add3A_255 = arith.addf %add3A_207, %get3A_254 : vector<16xf32>
    %get3A_256 = arith.constant 4 : i32
    %get3A_257 = arith.index_cast %get3A_256 : i32 to index
    %get3A_258 = arith.constant 48 : index
    %get3A_259 = tpu.vector_load %arg7[%get3A_257, %get3A_258] {strides = array<i32>} : memref<16x128xf32, #tpu.memory_space<vmem>>, vector<1x16xf32>,
    %get3A_260 = vector.shape_cast %get3A_259 : vector<1x16xf32> to vector<16xf32>
    %add3A_261 = arith.addf %add3A_213, %get3A_260 : vector<16xf32>
    %get3A_262 = arith.constant 4 : i32
    %get3A_263 = arith.index_cast %get3A_262 : i32 to index
    %get3A_264 = arith.constant 64 : index
    %get3A_265 = tpu.vector_load %arg7[%get3A_263, %get3A_264] {strides = array<i32>} : memref<16x128xf32, #tpu.memory_space<vmem>>, vector<1x16xf32>,
    %get3A_266 = vector.shape_cast %get3A_265 : vector<1x16xf32> to vector<16xf32>
    %add3A_267 = arith.addf %add3A_219, %get3A_266 : vector<16xf32>
    %get3A_268 = arith.constant 4 : i32
    %get3A_269 = arith.index_cast %get3A_268 : i32 to index
    %get3A_270 = arith.constant 80 : index
    %get3A_271 = tpu.vector_load %arg7[%get3A_269, %get3A_270] {strides = array<i32>} : memref<16x128xf32, #tpu.memory_space<vmem>>, vector<1x16xf32>,
    %get3A_272 = vector.shape_cast %get3A_271 : vector<1x16xf32> to vector<16xf32>
    %add3A_273 = arith.addf %add3A_225, %get3A_272 : vector<16xf32>
    %get3A_274 = arith.constant 4 : i32
    %get3A_275 = arith.index_cast %get3A_274 : i32 to index
    %get3A_276 = arith.constant 96 : index
    %get3A_277 = tpu.vector_load %arg7[%get3A_275, %get3A_276] {strides = array<i32>} : memref<16x128xf32, #tpu.memory_space<vmem>>, vector<1x16xf32>,
    %get3A_278 = vector.shape_cast %get3A_277 : vector<1x16xf32> to vector<16xf32>
    %add3A_279 = arith.addf %add3A_231, %get3A_278 : vector<16xf32>
    %get3A_280 = arith.constant 4 : i32
    %get3A_281 = arith.index_cast %get3A_280 : i32 to index
    %get3A_282 = arith.constant 112 : index
    %get3A_283 = tpu.vector_load %arg7[%get3A_281, %get3A_282] {strides = array<i32>} : memref<16x128xf32, #tpu.memory_space<vmem>>, vector<1x16xf32>,
    %get3A_284 = vector.shape_cast %get3A_283 : vector<1x16xf32> to vector<16xf32>
    %add3A_285 = arith.addf %add3A_237, %get3A_284 : vector<16xf32>
    %get3A_286 = arith.constant 5 : i32
    %get3A_287 = arith.index_cast %get3A_286 : i32 to index
    %get3A_288 = arith.constant 0 : index
    %get3A_289 = tpu.vector_load %arg7[%get3A_287, %get3A_288] {strides = array<i32>} : memref<16x128xf32, #tpu.memory_space<vmem>>, vector<1x16xf32>,
    %get3A_290 = vector.shape_cast %get3A_289 : vector<1x16xf32> to vector<16xf32>
    %add3A_291 = arith.addf %add3A_243, %get3A_290 : vector<16xf32>
    %get3A_292 = arith.constant 5 : i32
    %get3A_293 = arith.index_cast %get3A_292 : i32 to index
    %get3A_294 = arith.constant 16 : index
    %get3A_295 = tpu.vector_load %arg7[%get3A_293, %get3A_294] {strides = array<i32>} : memref<16x128xf32, #tpu.memory_space<vmem>>, vector<1x16xf32>,
    %get3A_296 = vector.shape_cast %get3A_295 : vector<1x16xf32> to vector<16xf32>
    %add3A_297 = arith.addf %add3A_249, %get3A_296 : vector<16xf32>
    %get3A_298 = arith.constant 5 : i32
    %get3A_299 = arith.index_cast %get3A_298 : i32 to index
    %get3A_300 = arith.constant 32 : index
    %get3A_301 = tpu.vector_load %arg7[%get3A_299, %get3A_300] {strides = array<i32>} : memref<16x128xf32, #tpu.memory_space<vmem>>, vector<1x16xf32>,
    %get3A_302 = vector.shape_cast %get3A_301 : vector<1x16xf32> to vector<16xf32>
    %add3A_303 = arith.addf %add3A_255, %get3A_302 : vector<16xf32>
    %get3A_304 = arith.constant 5 : i32
    %get3A_305 = arith.index_cast %get3A_304 : i32 to index
    %get3A_306 = arith.constant 48 : index
    %get3A_307 = tpu.vector_load %arg7[%get3A_305, %get3A_306] {strides = array<i32>} : memref<16x128xf32, #tpu.memory_space<vmem>>, vector<1x16xf32>,
    %get3A_308 = vector.shape_cast %get3A_307 : vector<1x16xf32> to vector<16xf32>
    %add3A_309 = arith.addf %add3A_261, %get3A_308 : vector<16xf32>
    %get3A_310 = arith.constant 5 : i32
    %get3A_311 = arith.index_cast %get3A_310 : i32 to index
    %get3A_312 = arith.constant 64 : index
    %get3A_313 = tpu.vector_load %arg7[%get3A_311, %get3A_312] {strides = array<i32>} : memref<16x128xf32, #tpu.memory_space<vmem>>, vector<1x16xf32>,
    %get3A_314 = vector.shape_cast %get3A_313 : vector<1x16xf32> to vector<16xf32>
    %add3A_315 = arith.addf %add3A_267, %get3A_314 : vector<16xf32>
    %get3A_316 = arith.constant 5 : i32
    %get3A_317 = arith.index_cast %get3A_316 : i32 to index
    %get3A_318 = arith.constant 80 : index
    %get3A_319 = tpu.vector_load %arg7[%get3A_317, %get3A_318] {strides = array<i32>} : memref<16x128xf32, #tpu.memory_space<vmem>>, vector<1x16xf32>,
    %get3A_320 = vector.shape_cast %get3A_319 : vector<1x16xf32> to vector<16xf32>
    %add3A_321 = arith.addf %add3A_273, %get3A_320 : vector<16xf32>
    %get3A_322 = arith.constant 5 : i32
    %get3A_323 = arith.index_cast %get3A_322 : i32 to index
    %get3A_324 = arith.constant 96 : index
    %get3A_325 = tpu.vector_load %arg7[%get3A_323, %get3A_324] {strides = array<i32>} : memref<16x128xf32, #tpu.memory_space<vmem>>, vector<1x16xf32>,
    %get3A_326 = vector.shape_cast %get3A_325 : vector<1x16xf32> to vector<16xf32>
    %add3A_327 = arith.addf %add3A_279, %get3A_326 : vector<16xf32>
    %get3A_328 = arith.constant 5 : i32
    %get3A_329 = arith.index_cast %get3A_328 : i32 to index
    %get3A_330 = arith.constant 112 : index
    %get3A_331 = tpu.vector_load %arg7[%get3A_329, %get3A_330] {strides = array<i32>} : memref<16x128xf32, #tpu.memory_space<vmem>>, vector<1x16xf32>,
    %get3A_332 = vector.shape_cast %get3A_331 : vector<1x16xf32> to vector<16xf32>
    %add3A_333 = arith.addf %add3A_285, %get3A_332 : vector<16xf32>
    %get3A_334 = arith.constant 6 : i32
    %get3A_335 = arith.index_cast %get3A_334 : i32 to index
    %get3A_336 = arith.constant 0 : index
    %get3A_337 = tpu.vector_load %arg7[%get3A_335, %get3A_336] {strides = array<i32>} : memref<16x128xf32, #tpu.memory_space<vmem>>, vector<1x16xf32>,
    %get3A_338 = vector.shape_cast %get3A_337 : vector<1x16xf32> to vector<16xf32>
    %add3A_339 = arith.addf %add3A_291, %get3A_338 : vector<16xf32>
    %get3A_340 = arith.constant 6 : i32
    %get3A_341 = arith.index_cast %get3A_340 : i32 to index
    %get3A_342 = arith.constant 16 : index
    %get3A_343 = tpu.vector_load %arg7[%get3A_341, %get3A_342] {strides = array<i32>} : memref<16x128xf32, #tpu.memory_space<vmem>>, vector<1x16xf32>,
    %get3A_344 = vector.shape_cast %get3A_343 : vector<1x16xf32> to vector<16xf32>
    %add3A_345 = arith.addf %add3A_297, %get3A_344 : vector<16xf32>
    %get3A_346 = arith.constant 6 : i32
    %get3A_347 = arith.index_cast %get3A_346 : i32 to index
    %get3A_348 = arith.constant 32 : index
    %get3A_349 = tpu.vector_load %arg7[%get3A_347, %get3A_348] {strides = array<i32>} : memref<16x128xf32, #tpu.memory_space<vmem>>, vector<1x16xf32>,
    %get3A_350 = vector.shape_cast %get3A_349 : vector<1x16xf32> to vector<16xf32>
    %add3A_351 = arith.addf %add3A_303, %get3A_350 : vector<16xf32>
    %get3A_352 = arith.constant 6 : i32
    %get3A_353 = arith.index_cast %get3A_352 : i32 to index
    %get3A_354 = arith.constant 48 : index
    %get3A_355 = tpu.vector_load %arg7[%get3A_353, %get3A_354] {strides = array<i32>} : memref<16x128xf32, #tpu.memory_space<vmem>>, vector<1x16xf32>,
    %get3A_356 = vector.shape_cast %get3A_355 : vector<1x16xf32> to vector<16xf32>
    %add3A_357 = arith.addf %add3A_309, %get3A_356 : vector<16xf32>
    %get3A_358 = arith.constant 6 : i32
    %get3A_359 = arith.index_cast %get3A_358 : i32 to index
    %get3A_360 = arith.constant 64 : index
    %get3A_361 = tpu.vector_load %arg7[%get3A_359, %get3A_360] {strides = array<i32>} : memref<16x128xf32, #tpu.memory_space<vmem>>, vector<1x16xf32>,
    %get3A_362 = vector.shape_cast %get3A_361 : vector<1x16xf32> to vector<16xf32>
    %add3A_363 = arith.addf %add3A_315, %get3A_362 : vector<16xf32>
    %get3A_364 = arith.constant 6 : i32
    %get3A_365 = arith.index_cast %get3A_364 : i32 to index
    %get3A_366 = arith.constant 80 : index
    %get3A_367 = tpu.vector_load %arg7[%get3A_365, %get3A_366] {strides = array<i32>} : memref<16x128xf32, #tpu.memory_space<vmem>>, vector<1x16xf32>,
    %get3A_368 = vector.shape_cast %get3A_367 : vector<1x16xf32> to vector<16xf32>
    %add3A_369 = arith.addf %add3A_321, %get3A_368 : vector<16xf32>
    %get3A_370 = arith.constant 6 : i32
    %get3A_371 = arith.index_cast %get3A_370 : i32 to index
    %get3A_372 = arith.constant 96 : index
    %get3A_373 = tpu.vector_load %arg7[%get3A_371, %get3A_372] {strides = array<i32>} : memref<16x128xf32, #tpu.memory_space<vmem>>, vector<1x16xf32>,
    %get3A_374 = vector.shape_cast %get3A_373 : vector<1x16xf32> to vector<16xf32>
    %add3A_375 = arith.addf %add3A_327, %get3A_374 : vector<16xf32>
    %get3A_376 = arith.constant 6 : i32
    %get3A_377 = arith.index_cast %get3A_376 : i32 to index
    %get3A_378 = arith.constant 112 : index
    %get3A_379 = tpu.vector_load %arg7[%get3A_377, %get3A_378] {strides = array<i32>} : memref<16x128xf32, #tpu.memory_space<vmem>>, vector<1x16xf32>,
    %get3A_380 = vector.shape_cast %get3A_379 : vector<1x16xf32> to vector<16xf32>
    %add3A_381 = arith.addf %add3A_333, %get3A_380 : vector<16xf32>
    %get3A_382 = arith.constant 7 : i32
    %get3A_383 = arith.index_cast %get3A_382 : i32 to index
    %get3A_384 = arith.constant 0 : index
    %get3A_385 = tpu.vector_load %arg7[%get3A_383, %get3A_384] {strides = array<i32>} : memref<16x128xf32, #tpu.memory_space<vmem>>, vector<1x16xf32>,
    %get3A_386 = vector.shape_cast %get3A_385 : vector<1x16xf32> to vector<16xf32>
    %add3A_387 = arith.addf %add3A_339, %get3A_386 : vector<16xf32>
    %get3A_388 = arith.constant 7 : i32
    %get3A_389 = arith.index_cast %get3A_388 : i32 to index
    %get3A_390 = arith.constant 16 : index
    %get3A_391 = tpu.vector_load %arg7[%get3A_389, %get3A_390] {strides = array<i32>} : memref<16x128xf32, #tpu.memory_space<vmem>>, vector<1x16xf32>,
    %get3A_392 = vector.shape_cast %get3A_391 : vector<1x16xf32> to vector<16xf32>
    %add3A_393 = arith.addf %add3A_345, %get3A_392 : vector<16xf32>
    %get3A_394 = arith.constant 7 : i32
    %get3A_395 = arith.index_cast %get3A_394 : i32 to index
    %get3A_396 = arith.constant 32 : index
    %get3A_397 = tpu.vector_load %arg7[%get3A_395, %get3A_396] {strides = array<i32>} : memref<16x128xf32, #tpu.memory_space<vmem>>, vector<1x16xf32>,
    %get3A_398 = vector.shape_cast %get3A_397 : vector<1x16xf32> to vector<16xf32>
    %add3A_399 = arith.addf %add3A_351, %get3A_398 : vector<16xf32>
    %get3A_400 = arith.constant 7 : i32
    %get3A_401 = arith.index_cast %get3A_400 : i32 to index
    %get3A_402 = arith.constant 48 : index
    %get3A_403 = tpu.vector_load %arg7[%get3A_401, %get3A_402] {strides = array<i32>} : memref<16x128xf32, #tpu.memory_space<vmem>>, vector<1x16xf32>,
    %get3A_404 = vector.shape_cast %get3A_403 : vector<1x16xf32> to vector<16xf32>
    %add3A_405 = arith.addf %add3A_357, %get3A_404 : vector<16xf32>
    %get3A_406 = arith.constant 7 : i32
    %get3A_407 = arith.index_cast %get3A_406 : i32 to index
    %get3A_408 = arith.constant 64 : index
    %get3A_409 = tpu.vector_load %arg7[%get3A_407, %get3A_408] {strides = array<i32>} : memref<16x128xf32, #tpu.memory_space<vmem>>, vector<1x16xf32>,
    %get3A_410 = vector.shape_cast %get3A_409 : vector<1x16xf32> to vector<16xf32>
    %add3A_411 = arith.addf %add3A_363, %get3A_410 : vector<16xf32>
    %get3A_412 = arith.constant 7 : i32
    %get3A_413 = arith.index_cast %get3A_412 : i32 to index
    %get3A_414 = arith.constant 80 : index
    %get3A_415 = tpu.vector_load %arg7[%get3A_413, %get3A_414] {strides = array<i32>} : memref<16x128xf32, #tpu.memory_space<vmem>>, vector<1x16xf32>,
    %get3A_416 = vector.shape_cast %get3A_415 : vector<1x16xf32> to vector<16xf32>
    %add3A_417 = arith.addf %add3A_369, %get3A_416 : vector<16xf32>
    %get3A_418 = arith.constant 7 : i32
    %get3A_419 = arith.index_cast %get3A_418 : i32 to index
    %get3A_420 = arith.constant 96 : index
    %get3A_421 = tpu.vector_load %arg7[%get3A_419, %get3A_420] {strides = array<i32>} : memref<16x128xf32, #tpu.memory_space<vmem>>, vector<1x16xf32>,
    %get3A_422 = vector.shape_cast %get3A_421 : vector<1x16xf32> to vector<16xf32>
    %add3A_423 = arith.addf %add3A_375, %get3A_422 : vector<16xf32>
    %get3A_424 = arith.constant 7 : i32
    %get3A_425 = arith.index_cast %get3A_424 : i32 to index
    %get3A_426 = arith.constant 112 : index
    %get3A_427 = tpu.vector_load %arg7[%get3A_425, %get3A_426] {strides = array<i32>} : memref<16x128xf32, #tpu.memory_space<vmem>>, vector<1x16xf32>,
    %get3A_428 = vector.shape_cast %get3A_427 : vector<1x16xf32> to vector<16xf32>
    %add3A_429 = arith.addf %add3A_381, %get3A_428 : vector<16xf32>
    %dma_wait3A_430 = arith.constant 8 : i32
    %dma_wait3A_431 = arith.constant 0 : i32
    %dma_wait3A_432 = tpu.memref_slice %arg7[%dma_wait3A_430, %dma_wait3A_431] : memref<16x128xf32, #tpu.memory_space<vmem>> -> memref<8x128xf32, #tpu.memory_space<vmem>>
    %dma_wait3A_433 = tpu.memref_slice %arg6[%add3A_33] : memref<256xi32, #tpu.memory_space<vmem>> -> memref<8xi32, #tpu.memory_space<vmem>>
    %dma_wait3A_434 = arith.constant 0 : i32
    %dma_wait3A_435 = arith.constant 0 : i32
    %dma_wait3A_436 = tpu.memref_slice %arg3[%dma_wait3A_434, %dma_wait3A_435] : memref<128x128xf32, #tpu.memory_space<hbm>> -> memref<128x128xf32, #tpu.memory_space<hbm>>
    tpu.wait_indirect_dma semaphore(%arg15 : memref<!tpu.dma_semaphore, #tpu.memory_space<semaphore_mem>>) src(%dma_wait3A_436 : memref<128x128xf32, #tpu.memory_space<hbm>>) dst(%dma_wait3A_432 : memref<8x128xf32, #tpu.memory_space<vmem>>)
    %get3A_437 = arith.constant 8 : i32
    %get3A_438 = arith.index_cast %get3A_437 : i32 to index
    %get3A_439 = arith.constant 0 : index
    %get3A_440 = tpu.vector_load %arg7[%get3A_438, %get3A_439] {strides = array<i32>} : memref<16x128xf32, #tpu.memory_space<vmem>>, vector<1x16xf32>,
    %get3A_441 = vector.shape_cast %get3A_440 : vector<1x16xf32> to vector<16xf32>
    %add3A_442 = arith.addf %add3A_387, %get3A_441 : vector<16xf32>
    %get3A_443 = arith.constant 8 : i32
    %get3A_444 = arith.index_cast %get3A_443 : i32 to index
    %get3A_445 = arith.constant 16 : index
    %get3A_446 = tpu.vector_load %arg7[%get3A_444, %get3A_445] {strides = array<i32>} : memref<16x128xf32, #tpu.memory_space<vmem>>, vector<1x16xf32>,
    %get3A_447 = vector.shape_cast %get3A_446 : vector<1x16xf32> to vector<16xf32>
    %add3A_448 = arith.addf %add3A_393, %get3A_447 : vector<16xf32>
    %get3A_449 = arith.constant 8 : i32
    %get3A_450 = arith.index_cast %get3A_449 : i32 to index
    %get3A_451 = arith.constant 32 : index
    %get3A_452 = tpu.vector_load %arg7[%get3A_450, %get3A_451] {strides = array<i32>} : memref<16x128xf32, #tpu.memory_space<vmem>>, vector<1x16xf32>,
    %get3A_453 = vector.shape_cast %get3A_452 : vector<1x16xf32> to vector<16xf32>
    %add3A_454 = arith.addf %add3A_399, %get3A_453 : vector<16xf32>
    %get3A_455 = arith.constant 8 : i32
    %get3A_456 = arith.index_cast %get3A_455 : i32 to index
    %get3A_457 = arith.constant 48 : index
    %get3A_458 = tpu.vector_load %arg7[%get3A_456, %get3A_457] {strides = array<i32>} : memref<16x128xf32, #tpu.memory_space<vmem>>, vector<1x16xf32>,
    %get3A_459 = vector.shape_cast %get3A_458 : vector<1x16xf32> to vector<16xf32>
    %add3A_460 = arith.addf %add3A_405, %get3A_459 : vector<16xf32>
    %get3A_461 = arith.constant 8 : i32
    %get3A_462 = arith.index_cast %get3A_461 : i32 to index
    %get3A_463 = arith.constant 64 : index
    %get3A_464 = tpu.vector_load %arg7[%get3A_462, %get3A_463] {strides = array<i32>} : memref<16x128xf32, #tpu.memory_space<vmem>>, vector<1x16xf32>,
    %get3A_465 = vector.shape_cast %get3A_464 : vector<1x16xf32> to vector<16xf32>
    %add3A_466 = arith.addf %add3A_411, %get3A_465 : vector<16xf32>
    %get3A_467 = arith.constant 8 : i32
    %get3A_468 = arith.index_cast %get3A_467 : i32 to index
    %get3A_469 = arith.constant 80 : index
    %get3A_470 = tpu.vector_load %arg7[%get3A_468, %get3A_469] {strides = array<i32>} : memref<16x128xf32, #tpu.memory_space<vmem>>, vector<1x16xf32>,
    %get3A_471 = vector.shape_cast %get3A_470 : vector<1x16xf32> to vector<16xf32>
    %add3A_472 = arith.addf %add3A_417, %get3A_471 : vector<16xf32>
    %get3A_473 = arith.constant 8 : i32
    %get3A_474 = arith.index_cast %get3A_473 : i32 to index
    %get3A_475 = arith.constant 96 : index
    %get3A_476 = tpu.vector_load %arg7[%get3A_474, %get3A_475] {strides = array<i32>} : memref<16x128xf32, #tpu.memory_space<vmem>>, vector<1x16xf32>,
    %get3A_477 = vector.shape_cast %get3A_476 : vector<1x16xf32> to vector<16xf32>
    %add3A_478 = arith.addf %add3A_423, %get3A_477 : vector<16xf32>
    %get3A_479 = arith.constant 8 : i32
    %get3A_480 = arith.index_cast %get3A_479 : i32 to index
    %get3A_481 = arith.constant 112 : index
    %get3A_482 = tpu.vector_load %arg7[%get3A_480, %get3A_481] {strides = array<i32>} : memref<16x128xf32, #tpu.memory_space<vmem>>, vector<1x16xf32>,
    %get3A_483 = vector.shape_cast %get3A_482 : vector<1x16xf32> to vector<16xf32>
    %add3A_484 = arith.addf %add3A_429, %get3A_483 : vector<16xf32>
    %get3A_485 = arith.constant 9 : i32
    %get3A_486 = arith.index_cast %get3A_485 : i32 to index
    %get3A_487 = arith.constant 0 : index
    %get3A_488 = tpu.vector_load %arg7[%get3A_486, %get3A_487] {strides = array<i32>} : memref<16x128xf32, #tpu.memory_space<vmem>>, vector<1x16xf32>,
    %get3A_489 = vector.shape_cast %get3A_488 : vector<1x16xf32> to vector<16xf32>
    %add3A_490 = arith.addf %add3A_442, %get3A_489 : vector<16xf32>
    %get3A_491 = arith.constant 9 : i32
    %get3A_492 = arith.index_cast %get3A_491 : i32 to index
    %get3A_493 = arith.constant 16 : index
    %get3A_494 = tpu.vector_load %arg7[%get3A_492, %get3A_493] {strides = array<i32>} : memref<16x128xf32, #tpu.memory_space<vmem>>, vector<1x16xf32>,
    %get3A_495 = vector.shape_cast %get3A_494 : vector<1x16xf32> to vector<16xf32>
    %add3A_496 = arith.addf %add3A_448, %get3A_495 : vector<16xf32>
    %get3A_497 = arith.constant 9 : i32
    %get3A_498 = arith.index_cast %get3A_497 : i32 to index
    %get3A_499 = arith.constant 32 : index
    %get3A_500 = tpu.vector_load %arg7[%get3A_498, %get3A_499] {strides = array<i32>} : memref<16x128xf32, #tpu.memory_space<vmem>>, vector<1x16xf32>,
    %get3A_501 = vector.shape_cast %get3A_500 : vector<1x16xf32> to vector<16xf32>
    %add3A_502 = arith.addf %add3A_454, %get3A_501 : vector<16xf32>
    %get3A_503 = arith.constant 9 : i32
    %get3A_504 = arith.index_cast %get3A_503 : i32 to index
    %get3A_505 = arith.constant 48 : index
    %get3A_506 = tpu.vector_load %arg7[%get3A_504, %get3A_505] {strides = array<i32>} : memref<16x128xf32, #tpu.memory_space<vmem>>, vector<1x16xf32>,
    %get3A_507 = vector.shape_cast %get3A_506 : vector<1x16xf32> to vector<16xf32>
    %add3A_508 = arith.addf %add3A_460, %get3A_507 : vector<16xf32>
    %get3A_509 = arith.constant 9 : i32
    %get3A_510 = arith.index_cast %get3A_509 : i32 to index
    %get3A_511 = arith.constant 64 : index
    %get3A_512 = tpu.vector_load %arg7[%get3A_510, %get3A_511] {strides = array<i32>} : memref<16x128xf32, #tpu.memory_space<vmem>>, vector<1x16xf32>,
    %get3A_513 = vector.shape_cast %get3A_512 : vector<1x16xf32> to vector<16xf32>
    %add3A_514 = arith.addf %add3A_466, %get3A_513 : vector<16xf32>
    %get3A_515 = arith.constant 9 : i32
    %get3A_516 = arith.index_cast %get3A_515 : i32 to index
    %get3A_517 = arith.constant 80 : index
    %get3A_518 = tpu.vector_load %arg7[%get3A_516, %get3A_517] {strides = array<i32>} : memref<16x128xf32, #tpu.memory_space<vmem>>, vector<1x16xf32>,
    %get3A_519 = vector.shape_cast %get3A_518 : vector<1x16xf32> to vector<16xf32>
    %add3A_520 = arith.addf %add3A_472, %get3A_519 : vector<16xf32>
    %get3A_521 = arith.constant 9 : i32
    %get3A_522 = arith.index_cast %get3A_521 : i32 to index
    %get3A_523 = arith.constant 96 : index
    %get3A_524 = tpu.vector_load %arg7[%get3A_522, %get3A_523] {strides = array<i32>} : memref<16x128xf32, #tpu.memory_space<vmem>>, vector<1x16xf32>,
    %get3A_525 = vector.shape_cast %get3A_524 : vector<1x16xf32> to vector<16xf32>
    %add3A_526 = arith.addf %add3A_478, %get3A_525 : vector<16xf32>
    %get3A_527 = arith.constant 9 : i32
    %get3A_528 = arith.index_cast %get3A_527 : i32 to index
    %get3A_529 = arith.constant 112 : index
    %get3A_530 = tpu.vector_load %arg7[%get3A_528, %get3A_529] {strides = array<i32>} : memref<16x128xf32, #tpu.memory_space<vmem>>, vector<1x16xf32>,
    %get3A_531 = vector.shape_cast %get3A_530 : vector<1x16xf32> to vector<16xf32>
    %add3A_532 = arith.addf %add3A_484, %get3A_531 : vector<16xf32>
    %get3A_533 = arith.constant 10 : i32
    %get3A_534 = arith.index_cast %get3A_533 : i32 to index
    %get3A_535 = arith.constant 0 : index
    %get3A_536 = tpu.vector_load %arg7[%get3A_534, %get3A_535] {strides = array<i32>} : memref<16x128xf32, #tpu.memory_space<vmem>>, vector<1x16xf32>,
    %get3A_537 = vector.shape_cast %get3A_536 : vector<1x16xf32> to vector<16xf32>
    %add3A_538 = arith.addf %add3A_490, %get3A_537 : vector<16xf32>
    %get3A_539 = arith.constant 10 : i32
    %get3A_540 = arith.index_cast %get3A_539 : i32 to index
    %get3A_541 = arith.constant 16 : index
    %get3A_542 = tpu.vector_load %arg7[%get3A_540, %get3A_541] {strides = array<i32>} : memref<16x128xf32, #tpu.memory_space<vmem>>, vector<1x16xf32>,
    %get3A_543 = vector.shape_cast %get3A_542 : vector<1x16xf32> to vector<16xf32>
    %add3A_544 = arith.addf %add3A_496, %get3A_543 : vector<16xf32>
    %get3A_545 = arith.constant 10 : i32
    %get3A_546 = arith.index_cast %get3A_545 : i32 to index
    %get3A_547 = arith.constant 32 : index
    %get3A_548 = tpu.vector_load %arg7[%get3A_546, %get3A_547] {strides = array<i32>} : memref<16x128xf32, #tpu.memory_space<vmem>>, vector<1x16xf32>,
    %get3A_549 = vector.shape_cast %get3A_548 : vector<1x16xf32> to vector<16xf32>
    %add3A_550 = arith.addf %add3A_502, %get3A_549 : vector<16xf32>
    %get3A_551 = arith.constant 10 : i32
    %get3A_552 = arith.index_cast %get3A_551 : i32 to index
    %get3A_553 = arith.constant 48 : index
    %get3A_554 = tpu.vector_load %arg7[%get3A_552, %get3A_553] {strides = array<i32>} : memref<16x128xf32, #tpu.memory_space<vmem>>, vector<1x16xf32>,
    %get3A_555 = vector.shape_cast %get3A_554 : vector<1x16xf32> to vector<16xf32>
    %add3A_556 = arith.addf %add3A_508, %get3A_555 : vector<16xf32>
    %get3A_557 = arith.constant 10 : i32
    %get3A_558 = arith.index_cast %get3A_557 : i32 to index
    %get3A_559 = arith.constant 64 : index
    %get3A_560 = tpu.vector_load %arg7[%get3A_558, %get3A_559] {strides = array<i32>} : memref<16x128xf32, #tpu.memory_space<vmem>>, vector<1x16xf32>,
    %get3A_561 = vector.shape_cast %get3A_560 : vector<1x16xf32> to vector<16xf32>
    %add3A_562 = arith.addf %add3A_514, %get3A_561 : vector<16xf32>
    %get3A_563 = arith.constant 10 : i32
    %get3A_564 = arith.index_cast %get3A_563 : i32 to index
    %get3A_565 = arith.constant 80 : index
    %get3A_566 = tpu.vector_load %arg7[%get3A_564, %get3A_565] {strides = array<i32>} : memref<16x128xf32, #tpu.memory_space<vmem>>, vector<1x16xf32>,
    %get3A_567 = vector.shape_cast %get3A_566 : vector<1x16xf32> to vector<16xf32>
    %add3A_568 = arith.addf %add3A_520, %get3A_567 : vector<16xf32>
    %get3A_569 = arith.constant 10 : i32
    %get3A_570 = arith.index_cast %get3A_569 : i32 to index
    %get3A_571 = arith.constant 96 : index
    %get3A_572 = tpu.vector_load %arg7[%get3A_570, %get3A_571] {strides = array<i32>} : memref<16x128xf32, #tpu.memory_space<vmem>>, vector<1x16xf32>,
    %get3A_573 = vector.shape_cast %get3A_572 : vector<1x16xf32> to vector<16xf32>
    %add3A_574 = arith.addf %add3A_526, %get3A_573 : vector<16xf32>
    %get3A_575 = arith.constant 10 : i32
    %get3A_576 = arith.index_cast %get3A_575 : i32 to index
    %get3A_577 = arith.constant 112 : index
    %get3A_578 = tpu.vector_load %arg7[%get3A_576, %get3A_577] {strides = array<i32>} : memref<16x128xf32, #tpu.memory_space<vmem>>, vector<1x16xf32>,
    %get3A_579 = vector.shape_cast %get3A_578 : vector<1x16xf32> to vector<16xf32>
    %add3A_580 = arith.addf %add3A_532, %get3A_579 : vector<16xf32>
    %get3A_581 = arith.constant 11 : i32
    %get3A_582 = arith.index_cast %get3A_581 : i32 to index
    %get3A_583 = arith.constant 0 : index
    %get3A_584 = tpu.vector_load %arg7[%get3A_582, %get3A_583] {strides = array<i32>} : memref<16x128xf32, #tpu.memory_space<vmem>>, vector<1x16xf32>,
    %get3A_585 = vector.shape_cast %get3A_584 : vector<1x16xf32> to vector<16xf32>
    %add3A_586 = arith.addf %add3A_538, %get3A_585 : vector<16xf32>
    %get3A_587 = arith.constant 11 : i32
    %get3A_588 = arith.index_cast %get3A_587 : i32 to index
    %get3A_589 = arith.constant 16 : index
    %get3A_590 = tpu.vector_load %arg7[%get3A_588, %get3A_589] {strides = array<i32>} : memref<16x128xf32, #tpu.memory_space<vmem>>, vector<1x16xf32>,
    %get3A_591 = vector.shape_cast %get3A_590 : vector<1x16xf32> to vector<16xf32>
    %add3A_592 = arith.addf %add3A_544, %get3A_591 : vector<16xf32>
    %get3A_593 = arith.constant 11 : i32
    %get3A_594 = arith.index_cast %get3A_593 : i32 to index
    %get3A_595 = arith.constant 32 : index
    %get3A_596 = tpu.vector_load %arg7[%get3A_594, %get3A_595] {strides = array<i32>} : memref<16x128xf32, #tpu.memory_space<vmem>>, vector<1x16xf32>,
    %get3A_597 = vector.shape_cast %get3A_596 : vector<1x16xf32> to vector<16xf32>
    %add3A_598 = arith.addf %add3A_550, %get3A_597 : vector<16xf32>
    %get3A_599 = arith.constant 11 : i32
    %get3A_600 = arith.index_cast %get3A_599 : i32 to index
    %get3A_601 = arith.constant 48 : index
    %get3A_602 = tpu.vector_load %arg7[%get3A_600, %get3A_601] {strides = array<i32>} : memref<16x128xf32, #tpu.memory_space<vmem>>, vector<1x16xf32>,
    %get3A_603 = vector.shape_cast %get3A_602 : vector<1x16xf32> to vector<16xf32>
    %add3A_604 = arith.addf %add3A_556, %get3A_603 : vector<16xf32>
    %get3A_605 = arith.constant 11 : i32
    %get3A_606 = arith.index_cast %get3A_605 : i32 to index
    %get3A_607 = arith.constant 64 : index
    %get3A_608 = tpu.vector_load %arg7[%get3A_606, %get3A_607] {strides = array<i32>} : memref<16x128xf32, #tpu.memory_space<vmem>>, vector<1x16xf32>,
    %get3A_609 = vector.shape_cast %get3A_608 : vector<1x16xf32> to vector<16xf32>
    %add3A_610 = arith.addf %add3A_562, %get3A_609 : vector<16xf32>
    %get3A_611 = arith.constant 11 : i32
    %get3A_612 = arith.index_cast %get3A_611 : i32 to index
    %get3A_613 = arith.constant 80 : index
    %get3A_614 = tpu.vector_load %arg7[%get3A_612, %get3A_613] {strides = array<i32>} : memref<16x128xf32, #tpu.memory_space<vmem>>, vector<1x16xf32>,
    %get3A_615 = vector.shape_cast %get3A_614 : vector<1x16xf32> to vector<16xf32>
    %add3A_616 = arith.addf %add3A_568, %get3A_615 : vector<16xf32>
    %get3A_617 = arith.constant 11 : i32
    %get3A_618 = arith.index_cast %get3A_617 : i32 to index
    %get3A_619 = arith.constant 96 : index
    %get3A_620 = tpu.vector_load %arg7[%get3A_618, %get3A_619] {strides = array<i32>} : memref<16x128xf32, #tpu.memory_space<vmem>>, vector<1x16xf32>,
    %get3A_621 = vector.shape_cast %get3A_620 : vector<1x16xf32> to vector<16xf32>
    %add3A_622 = arith.addf %add3A_574, %get3A_621 : vector<16xf32>
    %get3A_623 = arith.constant 11 : i32
    %get3A_624 = arith.index_cast %get3A_623 : i32 to index
    %get3A_625 = arith.constant 112 : index
    %get3A_626 = tpu.vector_load %arg7[%get3A_624, %get3A_625] {strides = array<i32>} : memref<16x128xf32, #tpu.memory_space<vmem>>, vector<1x16xf32>,
    %get3A_627 = vector.shape_cast %get3A_626 : vector<1x16xf32> to vector<16xf32>
    %add3A_628 = arith.addf %add3A_580, %get3A_627 : vector<16xf32>
    %get3A_629 = arith.constant 12 : i32
    %get3A_630 = arith.index_cast %get3A_629 : i32 to index
    %get3A_631 = arith.constant 0 : index
    %get3A_632 = tpu.vector_load %arg7[%get3A_630, %get3A_631] {strides = array<i32>} : memref<16x128xf32, #tpu.memory_space<vmem>>, vector<1x16xf32>,
    %get3A_633 = vector.shape_cast %get3A_632 : vector<1x16xf32> to vector<16xf32>
    %add3A_634 = arith.addf %add3A_586, %get3A_633 : vector<16xf32>
    %get3A_635 = arith.constant 12 : i32
    %get3A_636 = arith.index_cast %get3A_635 : i32 to index
    %get3A_637 = arith.constant 16 : index
    %get3A_638 = tpu.vector_load %arg7[%get3A_636, %get3A_637] {strides = array<i32>} : memref<16x128xf32, #tpu.memory_space<vmem>>, vector<1x16xf32>,
    %get3A_639 = vector.shape_cast %get3A_638 : vector<1x16xf32> to vector<16xf32>
    %add3A_640 = arith.addf %add3A_592, %get3A_639 : vector<16xf32>
    %get3A_641 = arith.constant 12 : i32
    %get3A_642 = arith.index_cast %get3A_641 : i32 to index
    %get3A_643 = arith.constant 32 : index
    %get3A_644 = tpu.vector_load %arg7[%get3A_642, %get3A_643] {strides = array<i32>} : memref<16x128xf32, #tpu.memory_space<vmem>>, vector<1x16xf32>,
    %get3A_645 = vector.shape_cast %get3A_644 : vector<1x16xf32> to vector<16xf32>
    %add3A_646 = arith.addf %add3A_598, %get3A_645 : vector<16xf32>
    %get3A_647 = arith.constant 12 : i32
    %get3A_648 = arith.index_cast %get3A_647 : i32 to index
    %get3A_649 = arith.constant 48 : index
    %get3A_650 = tpu.vector_load %arg7[%get3A_648, %get3A_649] {strides = array<i32>} : memref<16x128xf32, #tpu.memory_space<vmem>>, vector<1x16xf32>,
    %get3A_651 = vector.shape_cast %get3A_650 : vector<1x16xf32> to vector<16xf32>
    %add3A_652 = arith.addf %add3A_604, %get3A_651 : vector<16xf32>
    %get3A_653 = arith.constant 12 : i32
    %get3A_654 = arith.index_cast %get3A_653 : i32 to index
    %get3A_655 = arith.constant 64 : index
    %get3A_656 = tpu.vector_load %arg7[%get3A_654, %get3A_655] {strides = array<i32>} : memref<16x128xf32, #tpu.memory_space<vmem>>, vector<1x16xf32>,
    %get3A_657 = vector.shape_cast %get3A_656 : vector<1x16xf32> to vector<16xf32>
    %add3A_658 = arith.addf %add3A_610, %get3A_657 : vector<16xf32>
    %get3A_659 = arith.constant 12 : i32
    %get3A_660 = arith.index_cast %get3A_659 : i32 to index
    %get3A_661 = arith.constant 80 : index
    %get3A_662 = tpu.vector_load %arg7[%get3A_660, %get3A_661] {strides = array<i32>} : memref<16x128xf32, #tpu.memory_space<vmem>>, vector<1x16xf32>,
    %get3A_663 = vector.shape_cast %get3A_662 : vector<1x16xf32> to vector<16xf32>
    %add3A_664 = arith.addf %add3A_616, %get3A_663 : vector<16xf32>
    %get3A_665 = arith.constant 12 : i32
    %get3A_666 = arith.index_cast %get3A_665 : i32 to index
    %get3A_667 = arith.constant 96 : index
    %get3A_668 = tpu.vector_load %arg7[%get3A_666, %get3A_667] {strides = array<i32>} : memref<16x128xf32, #tpu.memory_space<vmem>>, vector<1x16xf32>,
    %get3A_669 = vector.shape_cast %get3A_668 : vector<1x16xf32> to vector<16xf32>
    %add3A_670 = arith.addf %add3A_622, %get3A_669 : vector<16xf32>
    %get3A_671 = arith.constant 12 : i32
    %get3A_672 = arith.index_cast %get3A_671 : i32 to index
    %get3A_673 = arith.constant 112 : index
    %get3A_674 = tpu.vector_load %arg7[%get3A_672, %get3A_673] {strides = array<i32>} : memref<16x128xf32, #tpu.memory_space<vmem>>, vector<1x16xf32>,
    %get3A_675 = vector.shape_cast %get3A_674 : vector<1x16xf32> to vector<16xf32>
    %add3A_676 = arith.addf %add3A_628, %get3A_675 : vector<16xf32>
    %get3A_677 = arith.constant 13 : i32
    %get3A_678 = arith.index_cast %get3A_677 : i32 to index
    %get3A_679 = arith.constant 0 : index
    %get3A_680 = tpu.vector_load %arg7[%get3A_678, %get3A_679] {strides = array<i32>} : memref<16x128xf32, #tpu.memory_space<vmem>>, vector<1x16xf32>,
    %get3A_681 = vector.shape_cast %get3A_680 : vector<1x16xf32> to vector<16xf32>
    %add3A_682 = arith.addf %add3A_634, %get3A_681 : vector<16xf32>
    %get3A_683 = arith.constant 13 : i32
    %get3A_684 = arith.index_cast %get3A_683 : i32 to index
    %get3A_685 = arith.constant 16 : index
    %get3A_686 = tpu.vector_load %arg7[%get3A_684, %get3A_685] {strides = array<i32>} : memref<16x128xf32, #tpu.memory_space<vmem>>, vector<1x16xf32>,
    %get3A_687 = vector.shape_cast %get3A_686 : vector<1x16xf32> to vector<16xf32>
    %add3A_688 = arith.addf %add3A_640, %get3A_687 : vector<16xf32>
    %get3A_689 = arith.constant 13 : i32
    %get3A_690 = arith.index_cast %get3A_689 : i32 to index
    %get3A_691 = arith.constant 32 : index
    %get3A_692 = tpu.vector_load %arg7[%get3A_690, %get3A_691] {strides = array<i32>} : memref<16x128xf32, #tpu.memory_space<vmem>>, vector<1x16xf32>,
    %get3A_693 = vector.shape_cast %get3A_692 : vector<1x16xf32> to vector<16xf32>
    %add3A_694 = arith.addf %add3A_646, %get3A_693 : vector<16xf32>
    %get3A_695 = arith.constant 13 : i32
    %get3A_696 = arith.index_cast %get3A_695 : i32 to index
    %get3A_697 = arith.constant 48 : index
    %get3A_698 = tpu.vector_load %arg7[%get3A_696, %get3A_697] {strides = array<i32>} : memref<16x128xf32, #tpu.memory_space<vmem>>, vector<1x16xf32>,
    %get3A_699 = vector.shape_cast %get3A_698 : vector<1x16xf32> to vector<16xf32>
    %add3A_700 = arith.addf %add3A_652, %get3A_699 : vector<16xf32>
    %get3A_701 = arith.constant 13 : i32
    %get3A_702 = arith.index_cast %get3A_701 : i32 to index
    %get3A_703 = arith.constant 64 : index
    %get3A_704 = tpu.vector_load %arg7[%get3A_702, %get3A_703] {strides = array<i32>} : memref<16x128xf32, #tpu.memory_space<vmem>>, vector<1x16xf32>,
    %get3A_705 = vector.shape_cast %get3A_704 : vector<1x16xf32> to vector<16xf32>
    %add3A_706 = arith.addf %add3A_658, %get3A_705 : vector<16xf32>
    %get3A_707 = arith.constant 13 : i32
    %get3A_708 = arith.index_cast %get3A_707 : i32 to index
    %get3A_709 = arith.constant 80 : index
    %get3A_710 = tpu.vector_load %arg7[%get3A_708, %get3A_709] {strides = array<i32>} : memref<16x128xf32, #tpu.memory_space<vmem>>, vector<1x16xf32>,
    %get3A_711 = vector.shape_cast %get3A_710 : vector<1x16xf32> to vector<16xf32>
    %add3A_712 = arith.addf %add3A_664, %get3A_711 : vector<16xf32>
    %get3A_713 = arith.constant 13 : i32
    %get3A_714 = arith.index_cast %get3A_713 : i32 to index
    %get3A_715 = arith.constant 96 : index
    %get3A_716 = tpu.vector_load %arg7[%get3A_714, %get3A_715] {strides = array<i32>} : memref<16x128xf32, #tpu.memory_space<vmem>>, vector<1x16xf32>,
    %get3A_717 = vector.shape_cast %get3A_716 : vector<1x16xf32> to vector<16xf32>
    %add3A_718 = arith.addf %add3A_670, %get3A_717 : vector<16xf32>
    %get3A_719 = arith.constant 13 : i32
    %get3A_720 = arith.index_cast %get3A_719 : i32 to index
    %get3A_721 = arith.constant 112 : index
    %get3A_722 = tpu.vector_load %arg7[%get3A_720, %get3A_721] {strides = array<i32>} : memref<16x128xf32, #tpu.memory_space<vmem>>, vector<1x16xf32>,
    %get3A_723 = vector.shape_cast %get3A_722 : vector<1x16xf32> to vector<16xf32>
    %add3A_724 = arith.addf %add3A_676, %get3A_723 : vector<16xf32>
    %get3A_725 = arith.constant 14 : i32
    %get3A_726 = arith.index_cast %get3A_725 : i32 to index
    %get3A_727 = arith.constant 0 : index
    %get3A_728 = tpu.vector_load %arg7[%get3A_726, %get3A_727] {strides = array<i32>} : memref<16x128xf32, #tpu.memory_space<vmem>>, vector<1x16xf32>,
    %get3A_729 = vector.shape_cast %get3A_728 : vector<1x16xf32> to vector<16xf32>
    %add3A_730 = arith.addf %add3A_682, %get3A_729 : vector<16xf32>
    %get3A_731 = arith.constant 14 : i32
    %get3A_732 = arith.index_cast %get3A_731 : i32 to index
    %get3A_733 = arith.constant 16 : index
    %get3A_734 = tpu.vector_load %arg7[%get3A_732, %get3A_733] {strides = array<i32>} : memref<16x128xf32, #tpu.memory_space<vmem>>, vector<1x16xf32>,
    %get3A_735 = vector.shape_cast %get3A_734 : vector<1x16xf32> to vector<16xf32>
    %add3A_736 = arith.addf %add3A_688, %get3A_735 : vector<16xf32>
    %get3A_737 = arith.constant 14 : i32
    %get3A_738 = arith.index_cast %get3A_737 : i32 to index
    %get3A_739 = arith.constant 32 : index
    %get3A_740 = tpu.vector_load %arg7[%get3A_738, %get3A_739] {strides = array<i32>} : memref<16x128xf32, #tpu.memory_space<vmem>>, vector<1x16xf32>,
    %get3A_741 = vector.shape_cast %get3A_740 : vector<1x16xf32> to vector<16xf32>
    %add3A_742 = arith.addf %add3A_694, %get3A_741 : vector<16xf32>
    %get3A_743 = arith.constant 14 : i32
    %get3A_744 = arith.index_cast %get3A_743 : i32 to index
    %get3A_745 = arith.constant 48 : index
    %get3A_746 = tpu.vector_load %arg7[%get3A_744, %get3A_745] {strides = array<i32>} : memref<16x128xf32, #tpu.memory_space<vmem>>, vector<1x16xf32>,
    %get3A_747 = vector.shape_cast %get3A_746 : vector<1x16xf32> to vector<16xf32>
    %add3A_748 = arith.addf %add3A_700, %get3A_747 : vector<16xf32>
    %get3A_749 = arith.constant 14 : i32
    %get3A_750 = arith.index_cast %get3A_749 : i32 to index
    %get3A_751 = arith.constant 64 : index
    %get3A_752 = tpu.vector_load %arg7[%get3A_750, %get3A_751] {strides = array<i32>} : memref<16x128xf32, #tpu.memory_space<vmem>>, vector<1x16xf32>,
    %get3A_753 = vector.shape_cast %get3A_752 : vector<1x16xf32> to vector<16xf32>
    %add3A_754 = arith.addf %add3A_706, %get3A_753 : vector<16xf32>
    %get3A_755 = arith.constant 14 : i32
    %get3A_756 = arith.index_cast %get3A_755 : i32 to index
    %get3A_757 = arith.constant 80 : index
    %get3A_758 = tpu.vector_load %arg7[%get3A_756, %get3A_757] {strides = array<i32>} : memref<16x128xf32, #tpu.memory_space<vmem>>, vector<1x16xf32>,
    %get3A_759 = vector.shape_cast %get3A_758 : vector<1x16xf32> to vector<16xf32>
    %add3A_760 = arith.addf %add3A_712, %get3A_759 : vector<16xf32>
    %get3A_761 = arith.constant 14 : i32
    %get3A_762 = arith.index_cast %get3A_761 : i32 to index
    %get3A_763 = arith.constant 96 : index
    %get3A_764 = tpu.vector_load %arg7[%get3A_762, %get3A_763] {strides = array<i32>} : memref<16x128xf32, #tpu.memory_space<vmem>>, vector<1x16xf32>,
    %get3A_765 = vector.shape_cast %get3A_764 : vector<1x16xf32> to vector<16xf32>
    %add3A_766 = arith.addf %add3A_718, %get3A_765 : vector<16xf32>
    %get3A_767 = arith.constant 14 : i32
    %get3A_768 = arith.index_cast %get3A_767 : i32 to index
    %get3A_769 = arith.constant 112 : index
    %get3A_770 = tpu.vector_load %arg7[%get3A_768, %get3A_769] {strides = array<i32>} : memref<16x128xf32, #tpu.memory_space<vmem>>, vector<1x16xf32>,
    %get3A_771 = vector.shape_cast %get3A_770 : vector<1x16xf32> to vector<16xf32>
    %add3A_772 = arith.addf %add3A_724, %get3A_771 : vector<16xf32>
    %get3A_773 = arith.constant 15 : i32
    %get3A_774 = arith.index_cast %get3A_773 : i32 to index
    %get3A_775 = arith.constant 0 : index
    %get3A_776 = tpu.vector_load %arg7[%get3A_774, %get3A_775] {strides = array<i32>} : memref<16x128xf32, #tpu.memory_space<vmem>>, vector<1x16xf32>,
    %get3A_777 = vector.shape_cast %get3A_776 : vector<1x16xf32> to vector<16xf32>
    %add3A_778 = arith.addf %add3A_730, %get3A_777 : vector<16xf32>
    %get3A_779 = arith.constant 15 : i32
    %get3A_780 = arith.index_cast %get3A_779 : i32 to index
    %get3A_781 = arith.constant 16 : index
    %get3A_782 = tpu.vector_load %arg7[%get3A_780, %get3A_781] {strides = array<i32>} : memref<16x128xf32, #tpu.memory_space<vmem>>, vector<1x16xf32>,
    %get3A_783 = vector.shape_cast %get3A_782 : vector<1x16xf32> to vector<16xf32>
    %add3A_784 = arith.addf %add3A_736, %get3A_783 : vector<16xf32>
    %get3A_785 = arith.constant 15 : i32
    %get3A_786 = arith.index_cast %get3A_785 : i32 to index
    %get3A_787 = arith.constant 32 : index
    %get3A_788 = tpu.vector_load %arg7[%get3A_786, %get3A_787] {strides = array<i32>} : memref<16x128xf32, #tpu.memory_space<vmem>>, vector<1x16xf32>,
    %get3A_789 = vector.shape_cast %get3A_788 : vector<1x16xf32> to vector<16xf32>
    %add3A_790 = arith.addf %add3A_742, %get3A_789 : vector<16xf32>
    %get3A_791 = arith.constant 15 : i32
    %get3A_792 = arith.index_cast %get3A_791 : i32 to index
    %get3A_793 = arith.constant 48 : index
    %get3A_794 = tpu.vector_load %arg7[%get3A_792, %get3A_793] {strides = array<i32>} : memref<16x128xf32, #tpu.memory_space<vmem>>, vector<1x16xf32>,
    %get3A_795 = vector.shape_cast %get3A_794 : vector<1x16xf32> to vector<16xf32>
    %add3A_796 = arith.addf %add3A_748, %get3A_795 : vector<16xf32>
    %get3A_797 = arith.constant 15 : i32
    %get3A_798 = arith.index_cast %get3A_797 : i32 to index
    %get3A_799 = arith.constant 64 : index
    %get3A_800 = tpu.vector_load %arg7[%get3A_798, %get3A_799] {strides = array<i32>} : memref<16x128xf32, #tpu.memory_space<vmem>>, vector<1x16xf32>,
    %get3A_801 = vector.shape_cast %get3A_800 : vector<1x16xf32> to vector<16xf32>
    %add3A_802 = arith.addf %add3A_754, %get3A_801 : vector<16xf32>
    %get3A_803 = arith.constant 15 : i32
    %get3A_804 = arith.index_cast %get3A_803 : i32 to index
    %get3A_805 = arith.constant 80 : index
    %get3A_806 = tpu.vector_load %arg7[%get3A_804, %get3A_805] {strides = array<i32>} : memref<16x128xf32, #tpu.memory_space<vmem>>, vector<1x16xf32>,
    %get3A_807 = vector.shape_cast %get3A_806 : vector<1x16xf32> to vector<16xf32>
    %add3A_808 = arith.addf %add3A_760, %get3A_807 : vector<16xf32>
    %get3A_809 = arith.constant 15 : i32
    %get3A_810 = arith.index_cast %get3A_809 : i32 to index
    %get3A_811 = arith.constant 96 : index
    %get3A_812 = tpu.vector_load %arg7[%get3A_810, %get3A_811] {strides = array<i32>} : memref<16x128xf32, #tpu.memory_space<vmem>>, vector<1x16xf32>,
    %get3A_813 = vector.shape_cast %get3A_812 : vector<1x16xf32> to vector<16xf32>
    %add3A_814 = arith.addf %add3A_766, %get3A_813 : vector<16xf32>
    %get3A_815 = arith.constant 15 : i32
    %get3A_816 = arith.index_cast %get3A_815 : i32 to index
    %get3A_817 = arith.constant 112 : index
    %get3A_818 = tpu.vector_load %arg7[%get3A_816, %get3A_817] {strides = array<i32>} : memref<16x128xf32, #tpu.memory_space<vmem>>, vector<1x16xf32>,
    %get3A_819 = vector.shape_cast %get3A_818 : vector<1x16xf32> to vector<16xf32>
    %add3A_820 = arith.addf %add3A_772, %get3A_819 : vector<16xf32>
    %eq3A = arith.constant 12 : i32
    %eq3A_821 = arith.cmpi eq, %arg1, %eq3A : i32
    %gt3A = arith.constant 12 : i32
    %gt3A_822 = arith.cmpi sgt, %arg1, %gt3A : i32
    %jit3A = arith.constant -1.600000e+01 : f32
    %jit3A_823 = arith.constant 0.000000e+00 : f32
    %select_n3A = arith.select %gt3A_822, %jit3A, %jit3A_823 : f32
    %jit3A_824 = arith.constant -8.000000e+00 : f32
    %select_n3A_825 = arith.select %eq3A_821, %jit3A_824, %select_n3A : f32
    %get3A_826 = arith.constant 15 : i32
    %get3A_827 = arith.index_cast %get3A_826 : i32 to index
    %get3A_828 = arith.constant 0 : index
    %get3A_829 = tpu.vector_load %arg7[%get3A_827, %get3A_828] {strides = array<i32>} : memref<16x128xf32, #tpu.memory_space<vmem>>, vector<1x16xf32>,
    %get3A_830 = vector.shape_cast %get3A_829 : vector<1x16xf32> to vector<16xf32>
    %mul3A_831 = vector.broadcast %select_n3A_825 : f32 to vector<16xf32>
    %mul3A_832 = arith.mulf %mul3A_831, %get3A_830 : vector<16xf32>
    %add3A_833 = arith.addf %add3A_778, %mul3A_832 : vector<16xf32>
    %swap3A_834 = arith.constant 0 : index
    %swap3A_835 = tpu.vector_load %arg9[%swap3A_834] {strides = array<i32>} : memref<128xf32, #tpu.memory_space<vmem>>, vector<16xf32>,
    %swap3A_836 = vector.shape_cast %swap3A_835 : vector<16xf32> to vector<16xf32>
    %swap3A_837 = vector.shape_cast %add3A_833 : vector<16xf32> to vector<16xf32>
    tpu.vector_store %arg9[%swap3A_834], %swap3A_837 {strides = array<i32>} : memref<128xf32, #tpu.memory_space<vmem>>, vector<16xf32>,
    %get3A_838 = arith.constant 15 : i32
    %get3A_839 = arith.index_cast %get3A_838 : i32 to index
    %get3A_840 = arith.constant 16 : index
    %get3A_841 = tpu.vector_load %arg7[%get3A_839, %get3A_840] {strides = array<i32>} : memref<16x128xf32, #tpu.memory_space<vmem>>, vector<1x16xf32>,
    %get3A_842 = vector.shape_cast %get3A_841 : vector<1x16xf32> to vector<16xf32>
    %mul3A_843 = vector.broadcast %select_n3A_825 : f32 to vector<16xf32>
    %mul3A_844 = arith.mulf %mul3A_843, %get3A_842 : vector<16xf32>
    %add3A_845 = arith.addf %add3A_784, %mul3A_844 : vector<16xf32>
    %swap3A_846 = arith.constant 16 : index
    %swap3A_847 = tpu.vector_load %arg9[%swap3A_846] {strides = array<i32>} : memref<128xf32, #tpu.memory_space<vmem>>, vector<16xf32>,
    %swap3A_848 = vector.shape_cast %swap3A_847 : vector<16xf32> to vector<16xf32>
    %swap3A_849 = vector.shape_cast %add3A_845 : vector<16xf32> to vector<16xf32>
    tpu.vector_store %arg9[%swap3A_846], %swap3A_849 {strides = array<i32>} : memref<128xf32, #tpu.memory_space<vmem>>, vector<16xf32>,
    %get3A_850 = arith.constant 15 : i32
    %get3A_851 = arith.index_cast %get3A_850 : i32 to index
    %get3A_852 = arith.constant 32 : index
    %get3A_853 = tpu.vector_load %arg7[%get3A_851, %get3A_852] {strides = array<i32>} : memref<16x128xf32, #tpu.memory_space<vmem>>, vector<1x16xf32>,
    %get3A_854 = vector.shape_cast %get3A_853 : vector<1x16xf32> to vector<16xf32>
    %mul3A_855 = vector.broadcast %select_n3A_825 : f32 to vector<16xf32>
    %mul3A_856 = arith.mulf %mul3A_855, %get3A_854 : vector<16xf32>
    %add3A_857 = arith.addf %add3A_790, %mul3A_856 : vector<16xf32>
    %swap3A_858 = arith.constant 32 : index
    %swap3A_859 = tpu.vector_load %arg9[%swap3A_858] {strides = array<i32>} : memref<128xf32, #tpu.memory_space<vmem>>, vector<16xf32>,
    %swap3A_860 = vector.shape_cast %swap3A_859 : vector<16xf32> to vector<16xf32>
    %swap3A_861 = vector.shape_cast %add3A_857 : vector<16xf32> to vector<16xf32>
    tpu.vector_store %arg9[%swap3A_858], %swap3A_861 {strides = array<i32>} : memref<128xf32, #tpu.memory_space<vmem>>, vector<16xf32>,
    %get3A_862 = arith.constant 15 : i32
    %get3A_863 = arith.index_cast %get3A_862 : i32 to index
    %get3A_864 = arith.constant 48 : index
    %get3A_865 = tpu.vector_load %arg7[%get3A_863, %get3A_864] {strides = array<i32>} : memref<16x128xf32, #tpu.memory_space<vmem>>, vector<1x16xf32>,
    %get3A_866 = vector.shape_cast %get3A_865 : vector<1x16xf32> to vector<16xf32>
    %mul3A_867 = vector.broadcast %select_n3A_825 : f32 to vector<16xf32>
    %mul3A_868 = arith.mulf %mul3A_867, %get3A_866 : vector<16xf32>
    %add3A_869 = arith.addf %add3A_796, %mul3A_868 : vector<16xf32>
    %swap3A_870 = arith.constant 48 : index
    %swap3A_871 = tpu.vector_load %arg9[%swap3A_870] {strides = array<i32>} : memref<128xf32, #tpu.memory_space<vmem>>, vector<16xf32>,
    %swap3A_872 = vector.shape_cast %swap3A_871 : vector<16xf32> to vector<16xf32>
    %swap3A_873 = vector.shape_cast %add3A_869 : vector<16xf32> to vector<16xf32>
    tpu.vector_store %arg9[%swap3A_870], %swap3A_873 {strides = array<i32>} : memref<128xf32, #tpu.memory_space<vmem>>, vector<16xf32>,
    %get3A_874 = arith.constant 15 : i32
    %get3A_875 = arith.index_cast %get3A_874 : i32 to index
    %get3A_876 = arith.constant 64 : index
    %get3A_877 = tpu.vector_load %arg7[%get3A_875, %get3A_876] {strides = array<i32>} : memref<16x128xf32, #tpu.memory_space<vmem>>, vector<1x16xf32>,
    %get3A_878 = vector.shape_cast %get3A_877 : vector<1x16xf32> to vector<16xf32>
    %mul3A_879 = vector.broadcast %select_n3A_825 : f32 to vector<16xf32>
    %mul3A_880 = arith.mulf %mul3A_879, %get3A_878 : vector<16xf32>
    %add3A_881 = arith.addf %add3A_802, %mul3A_880 : vector<16xf32>
    %swap3A_882 = arith.constant 64 : index
    %swap3A_883 = tpu.vector_load %arg9[%swap3A_882] {strides = array<i32>} : memref<128xf32, #tpu.memory_space<vmem>>, vector<16xf32>,
    %swap3A_884 = vector.shape_cast %swap3A_883 : vector<16xf32> to vector<16xf32>
    %swap3A_885 = vector.shape_cast %add3A_881 : vector<16xf32> to vector<16xf32>
    tpu.vector_store %arg9[%swap3A_882], %swap3A_885 {strides = array<i32>} : memref<128xf32, #tpu.memory_space<vmem>>, vector<16xf32>,
    %get3A_886 = arith.constant 15 : i32
    %get3A_887 = arith.index_cast %get3A_886 : i32 to index
    %get3A_888 = arith.constant 80 : index
    %get3A_889 = tpu.vector_load %arg7[%get3A_887, %get3A_888] {strides = array<i32>} : memref<16x128xf32, #tpu.memory_space<vmem>>, vector<1x16xf32>,
    %get3A_890 = vector.shape_cast %get3A_889 : vector<1x16xf32> to vector<16xf32>
    %mul3A_891 = vector.broadcast %select_n3A_825 : f32 to vector<16xf32>
    %mul3A_892 = arith.mulf %mul3A_891, %get3A_890 : vector<16xf32>
    %add3A_893 = arith.addf %add3A_808, %mul3A_892 : vector<16xf32>
    %swap3A_894 = arith.constant 80 : index
    %swap3A_895 = tpu.vector_load %arg9[%swap3A_894] {strides = array<i32>} : memref<128xf32, #tpu.memory_space<vmem>>, vector<16xf32>,
    %swap3A_896 = vector.shape_cast %swap3A_895 : vector<16xf32> to vector<16xf32>
    %swap3A_897 = vector.shape_cast %add3A_893 : vector<16xf32> to vector<16xf32>
    tpu.vector_store %arg9[%swap3A_894], %swap3A_897 {strides = array<i32>} : memref<128xf32, #tpu.memory_space<vmem>>, vector<16xf32>,
    %get3A_898 = arith.constant 15 : i32
    %get3A_899 = arith.index_cast %get3A_898 : i32 to index
    %get3A_900 = arith.constant 96 : index
    %get3A_901 = tpu.vector_load %arg7[%get3A_899, %get3A_900] {strides = array<i32>} : memref<16x128xf32, #tpu.memory_space<vmem>>, vector<1x16xf32>,
    %get3A_902 = vector.shape_cast %get3A_901 : vector<1x16xf32> to vector<16xf32>
    %mul3A_903 = vector.broadcast %select_n3A_825 : f32 to vector<16xf32>
    %mul3A_904 = arith.mulf %mul3A_903, %get3A_902 : vector<16xf32>
    %add3A_905 = arith.addf %add3A_814, %mul3A_904 : vector<16xf32>
    %swap3A_906 = arith.constant 96 : index
    %swap3A_907 = tpu.vector_load %arg9[%swap3A_906] {strides = array<i32>} : memref<128xf32, #tpu.memory_space<vmem>>, vector<16xf32>,
    %swap3A_908 = vector.shape_cast %swap3A_907 : vector<16xf32> to vector<16xf32>
    %swap3A_909 = vector.shape_cast %add3A_905 : vector<16xf32> to vector<16xf32>
    tpu.vector_store %arg9[%swap3A_906], %swap3A_909 {strides = array<i32>} : memref<128xf32, #tpu.memory_space<vmem>>, vector<16xf32>,
    %get3A_910 = arith.constant 15 : i32
    %get3A_911 = arith.index_cast %get3A_910 : i32 to index
    %get3A_912 = arith.constant 112 : index
    %get3A_913 = tpu.vector_load %arg7[%get3A_911, %get3A_912] {strides = array<i32>} : memref<16x128xf32, #tpu.memory_space<vmem>>, vector<1x16xf32>,
    %get3A_914 = vector.shape_cast %get3A_913 : vector<1x16xf32> to vector<16xf32>
    %mul3A_915 = vector.broadcast %select_n3A_825 : f32 to vector<16xf32>
    %mul3A_916 = arith.mulf %mul3A_915, %get3A_914 : vector<16xf32>
    %add3A_917 = arith.addf %add3A_820, %mul3A_916 : vector<16xf32>
    %swap3A_918 = arith.constant 112 : index
    %swap3A_919 = tpu.vector_load %arg9[%swap3A_918] {strides = array<i32>} : memref<128xf32, #tpu.memory_space<vmem>>, vector<16xf32>,
    %swap3A_920 = vector.shape_cast %swap3A_919 : vector<16xf32> to vector<16xf32>
    %swap3A_921 = vector.shape_cast %add3A_917 : vector<16xf32> to vector<16xf32>
    tpu.vector_store %arg9[%swap3A_918], %swap3A_921 {strides = array<i32>} : memref<128xf32, #tpu.memory_space<vmem>>, vector<16xf32>,
    %dma_wait3A_922 = arith.constant 0 : i32
    %dma_wait3A_923 = tpu.memref_slice %arg4[%mul3A_3, %dma_wait3A_922] : memref<128x128xf32, #tpu.memory_space<hbm>> -> memref<8x128xf32, #tpu.memory_space<hbm>>
    %dma_wait3A_924 = arith.constant 0 : i32
    %dma_wait3A_925 = tpu.memref_slice %arg4[%mul3A_3, %dma_wait3A_924] : memref<128x128xf32, #tpu.memory_space<hbm>> -> memref<8x128xf32, #tpu.memory_space<hbm>>
    tpu.wait_dma2 semaphore(%arg13 : memref<!tpu.dma_semaphore, #tpu.memory_space<semaphore_mem>>) src(%dma_wait3A_925 : memref<8x128xf32, #tpu.memory_space<hbm>>) dst(%arg8 : memref<8x128xf32, #tpu.memory_space<vmem>>)
    %get3A_926 = arith.constant 0 : i32
    %get3A_927 = arith.index_cast %get3A_926 : i32 to index
    %get3A_928 = arith.constant 0 : index
    %get3A_929 = tpu.vector_load %arg8[%get3A_927, %get3A_928] {strides = array<i32>} : memref<8x128xf32, #tpu.memory_space<vmem>>, vector<1x16xf32>,
    %get3A_930 = vector.shape_cast %get3A_929 : vector<1x16xf32> to vector<16xf32>
    %mul3A_931 = arith.mulf %add3A_833, %get3A_930 : vector<16xf32>
    %get3A_932 = arith.constant 0 : i32
    %get3A_933 = arith.index_cast %get3A_932 : i32 to index
    %get3A_934 = arith.constant 16 : index
    %get3A_935 = tpu.vector_load %arg8[%get3A_933, %get3A_934] {strides = array<i32>} : memref<8x128xf32, #tpu.memory_space<vmem>>, vector<1x16xf32>,
    %get3A_936 = vector.shape_cast %get3A_935 : vector<1x16xf32> to vector<16xf32>
    %mul3A_937 = arith.mulf %add3A_845, %get3A_936 : vector<16xf32>
    %add3A_938 = arith.addf %mul3A_931, %mul3A_937 : vector<16xf32>
    %get3A_939 = arith.constant 0 : i32
    %get3A_940 = arith.index_cast %get3A_939 : i32 to index
    %get3A_941 = arith.constant 32 : index
    %get3A_942 = tpu.vector_load %arg8[%get3A_940, %get3A_941] {strides = array<i32>} : memref<8x128xf32, #tpu.memory_space<vmem>>, vector<1x16xf32>,
    %get3A_943 = vector.shape_cast %get3A_942 : vector<1x16xf32> to vector<16xf32>
    %mul3A_944 = arith.mulf %add3A_857, %get3A_943 : vector<16xf32>
    %add3A_945 = arith.addf %add3A_938, %mul3A_944 : vector<16xf32>
    %get3A_946 = arith.constant 0 : i32
    %get3A_947 = arith.index_cast %get3A_946 : i32 to index
    %get3A_948 = arith.constant 48 : index
    %get3A_949 = tpu.vector_load %arg8[%get3A_947, %get3A_948] {strides = array<i32>} : memref<8x128xf32, #tpu.memory_space<vmem>>, vector<1x16xf32>,
    %get3A_950 = vector.shape_cast %get3A_949 : vector<1x16xf32> to vector<16xf32>
    %mul3A_951 = arith.mulf %add3A_869, %get3A_950 : vector<16xf32>
    %add3A_952 = arith.addf %add3A_945, %mul3A_951 : vector<16xf32>
    %get3A_953 = arith.constant 0 : i32
    %get3A_954 = arith.index_cast %get3A_953 : i32 to index
    %get3A_955 = arith.constant 64 : index
    %get3A_956 = tpu.vector_load %arg8[%get3A_954, %get3A_955] {strides = array<i32>} : memref<8x128xf32, #tpu.memory_space<vmem>>, vector<1x16xf32>,
    %get3A_957 = vector.shape_cast %get3A_956 : vector<1x16xf32> to vector<16xf32>
    %mul3A_958 = arith.mulf %add3A_881, %get3A_957 : vector<16xf32>
    %add3A_959 = arith.addf %add3A_952, %mul3A_958 : vector<16xf32>
    %get3A_960 = arith.constant 0 : i32
    %get3A_961 = arith.index_cast %get3A_960 : i32 to index
    %get3A_962 = arith.constant 80 : index
    %get3A_963 = tpu.vector_load %arg8[%get3A_961, %get3A_962] {strides = array<i32>} : memref<8x128xf32, #tpu.memory_space<vmem>>, vector<1x16xf32>,
    %get3A_964 = vector.shape_cast %get3A_963 : vector<1x16xf32> to vector<16xf32>
    %mul3A_965 = arith.mulf %add3A_893, %get3A_964 : vector<16xf32>
    %add3A_966 = arith.addf %add3A_959, %mul3A_965 : vector<16xf32>
    %get3A_967 = arith.constant 0 : i32
    %get3A_968 = arith.index_cast %get3A_967 : i32 to index
    %get3A_969 = arith.constant 96 : index
    %get3A_970 = tpu.vector_load %arg8[%get3A_968, %get3A_969] {strides = array<i32>} : memref<8x128xf32, #tpu.memory_space<vmem>>, vector<1x16xf32>,
    %get3A_971 = vector.shape_cast %get3A_970 : vector<1x16xf32> to vector<16xf32>
    %mul3A_972 = arith.mulf %add3A_905, %get3A_971 : vector<16xf32>
    %add3A_973 = arith.addf %add3A_966, %mul3A_972 : vector<16xf32>
    %get3A_974 = arith.constant 0 : i32
    %get3A_975 = arith.index_cast %get3A_974 : i32 to index
    %get3A_976 = arith.constant 112 : index
    %get3A_977 = tpu.vector_load %arg8[%get3A_975, %get3A_976] {strides = array<i32>} : memref<8x128xf32, #tpu.memory_space<vmem>>, vector<1x16xf32>,
    %get3A_978 = vector.shape_cast %get3A_977 : vector<1x16xf32> to vector<16xf32>
    %mul3A_979 = arith.mulf %add3A_917, %get3A_978 : vector<16xf32>
    %add3A_980 = arith.addf %add3A_973, %mul3A_979 : vector<16xf32>
    %xor3A = arith.constant 8 : i32
    %xor3A_981 = vector.broadcast %xor3A : i32 to vector<16xi32>
    %xor3A_982 = arith.xori %iota3A, %xor3A_981 : vector<16xi32>
    %lt3A = arith.constant 0 : i32
    %lt3A_983 = vector.broadcast %lt3A : i32 to vector<16xi32>
    %lt3A_984 = arith.cmpi slt, %xor3A_982, %lt3A_983 : vector<16xi32>
    %add3A_985 = arith.constant 16 : i32
    %add3A_986 = vector.broadcast %add3A_985 : i32 to vector<16xi32>
    %add3A_987 = arith.addi %xor3A_982, %add3A_986 : vector<16xi32>
    %select_n3A_988 = arith.select %lt3A_984, %add3A_987, %xor3A_982 : vector<16xi1>, vector<16xi32>
    %broadcast_in_dim3A_989 = vector.shape_cast %select_n3A_988 : vector<16xi32> to vector<16x1xi32>
    %gather3A = vector.shape_cast %broadcast_in_dim3A_989 : vector<16x1xi32> to vector<16xi32>
    %gather3A_990 = tpu.dynamic_gather %add3A_980[%gather3A] in [0] : vector<16xf32>, vector<16xi32> -> vector<16xf32>
    %add3A_991 = arith.addf %add3A_980, %gather3A_990 : vector<16xf32>
    %xor3A_992 = arith.constant 4 : i32
    %xor3A_993 = vector.broadcast %xor3A_992 : i32 to vector<16xi32>
    %xor3A_994 = arith.xori %iota3A, %xor3A_993 : vector<16xi32>
    %lt3A_995 = arith.constant 0 : i32
    %lt3A_996 = vector.broadcast %lt3A_995 : i32 to vector<16xi32>
    %lt3A_997 = arith.cmpi slt, %xor3A_994, %lt3A_996 : vector<16xi32>
    %add3A_998 = arith.constant 16 : i32
    %add3A_999 = vector.broadcast %add3A_998 : i32 to vector<16xi32>
    %add3A_1000 = arith.addi %xor3A_994, %add3A_999 : vector<16xi32>
    %select_n3A_1001 = arith.select %lt3A_997, %add3A_1000, %xor3A_994 : vector<16xi1>, vector<16xi32>
    %broadcast_in_dim3A_1002 = vector.shape_cast %select_n3A_1001 : vector<16xi32> to vector<16x1xi32>
    %gather3A_1003 = vector.shape_cast %broadcast_in_dim3A_1002 : vector<16x1xi32> to vector<16xi32>
    %gather3A_1004 = tpu.dynamic_gather %add3A_991[%gather3A_1003] in [0] : vector<16xf32>, vector<16xi32> -> vector<16xf32>
    %add3A_1005 = arith.addf %add3A_991, %gather3A_1004 : vector<16xf32>
    %xor3A_1006 = arith.constant 2 : i32
    %xor3A_1007 = vector.broadcast %xor3A_1006 : i32 to vector<16xi32>
    %xor3A_1008 = arith.xori %iota3A, %xor3A_1007 : vector<16xi32>
    %lt3A_1009 = arith.constant 0 : i32
    %lt3A_1010 = vector.broadcast %lt3A_1009 : i32 to vector<16xi32>
    %lt3A_1011 = arith.cmpi slt, %xor3A_1008, %lt3A_1010 : vector<16xi32>
    %add3A_1012 = arith.constant 16 : i32
    %add3A_1013 = vector.broadcast %add3A_1012 : i32 to vector<16xi32>
    %add3A_1014 = arith.addi %xor3A_1008, %add3A_1013 : vector<16xi32>
    %select_n3A_1015 = arith.select %lt3A_1011, %add3A_1014, %xor3A_1008 : vector<16xi1>, vector<16xi32>
    %broadcast_in_dim3A_1016 = vector.shape_cast %select_n3A_1015 : vector<16xi32> to vector<16x1xi32>
    %gather3A_1017 = vector.shape_cast %broadcast_in_dim3A_1016 : vector<16x1xi32> to vector<16xi32>
    %gather3A_1018 = tpu.dynamic_gather %add3A_1005[%gather3A_1017] in [0] : vector<16xf32>, vector<16xi32> -> vector<16xf32>
    %add3A_1019 = arith.addf %add3A_1005, %gather3A_1018 : vector<16xf32>
    %xor3A_1020 = arith.constant 1 : i32
    %xor3A_1021 = vector.broadcast %xor3A_1020 : i32 to vector<16xi32>
    %xor3A_1022 = arith.xori %iota3A, %xor3A_1021 : vector<16xi32>
    %lt3A_1023 = arith.constant 0 : i32
    %lt3A_1024 = vector.broadcast %lt3A_1023 : i32 to vector<16xi32>
    %lt3A_1025 = arith.cmpi slt, %xor3A_1022, %lt3A_1024 : vector<16xi32>
    %add3A_1026 = arith.constant 16 : i32
    %add3A_1027 = vector.broadcast %add3A_1026 : i32 to vector<16xi32>
    %add3A_1028 = arith.addi %xor3A_1022, %add3A_1027 : vector<16xi32>
    %select_n3A_1029 = arith.select %lt3A_1025, %add3A_1028, %xor3A_1022 : vector<16xi1>, vector<16xi32>
    %broadcast_in_dim3A_1030 = vector.shape_cast %select_n3A_1029 : vector<16xi32> to vector<16x1xi32>
    %gather3A_1031 = vector.shape_cast %broadcast_in_dim3A_1030 : vector<16x1xi32> to vector<16xi32>
    %gather3A_1032 = tpu.dynamic_gather %add3A_1019[%gather3A_1031] in [0] : vector<16xf32>, vector<16xi32> -> vector<16xf32>
    %add3A_1033 = arith.addf %add3A_1019, %gather3A_1032 : vector<16xf32>
    %eq3A_1034 = arith.constant 0 : i32
    %eq3A_1035 = vector.broadcast %eq3A_1034 : i32 to vector<16xi32>
    %eq3A_1036 = arith.cmpi eq, %iota3A, %eq3A_1035 : vector<16xi32>
    %select_n3A_1037 = arith.select %eq3A_1036, %add3A_1033, %broadcast_in_dim3A_0 : vector<16xi1>, vector<16xf32>
    %get3A_1038 = arith.constant 1 : i32
    %get3A_1039 = arith.index_cast %get3A_1038 : i32 to index
    %get3A_1040 = arith.constant 0 : index
    %get3A_1041 = tpu.vector_load %arg8[%get3A_1039, %get3A_1040] {strides = array<i32>} : memref<8x128xf32, #tpu.memory_space<vmem>>, vector<1x16xf32>,
    %get3A_1042 = vector.shape_cast %get3A_1041 : vector<1x16xf32> to vector<16xf32>
    %mul3A_1043 = arith.mulf %add3A_833, %get3A_1042 : vector<16xf32>
    %get3A_1044 = arith.constant 1 : i32
    %get3A_1045 = arith.index_cast %get3A_1044 : i32 to index
    %get3A_1046 = arith.constant 16 : index
    %get3A_1047 = tpu.vector_load %arg8[%get3A_1045, %get3A_1046] {strides = array<i32>} : memref<8x128xf32, #tpu.memory_space<vmem>>, vector<1x16xf32>,
    %get3A_1048 = vector.shape_cast %get3A_1047 : vector<1x16xf32> to vector<16xf32>
    %mul3A_1049 = arith.mulf %add3A_845, %get3A_1048 : vector<16xf32>
    %add3A_1050 = arith.addf %mul3A_1043, %mul3A_1049 : vector<16xf32>
    %get3A_1051 = arith.constant 1 : i32
    %get3A_1052 = arith.index_cast %get3A_1051 : i32 to index
    %get3A_1053 = arith.constant 32 : index
    %get3A_1054 = tpu.vector_load %arg8[%get3A_1052, %get3A_1053] {strides = array<i32>} : memref<8x128xf32, #tpu.memory_space<vmem>>, vector<1x16xf32>,
    %get3A_1055 = vector.shape_cast %get3A_1054 : vector<1x16xf32> to vector<16xf32>
    %mul3A_1056 = arith.mulf %add3A_857, %get3A_1055 : vector<16xf32>
    %add3A_1057 = arith.addf %add3A_1050, %mul3A_1056 : vector<16xf32>
    %get3A_1058 = arith.constant 1 : i32
    %get3A_1059 = arith.index_cast %get3A_1058 : i32 to index
    %get3A_1060 = arith.constant 48 : index
    %get3A_1061 = tpu.vector_load %arg8[%get3A_1059, %get3A_1060] {strides = array<i32>} : memref<8x128xf32, #tpu.memory_space<vmem>>, vector<1x16xf32>,
    %get3A_1062 = vector.shape_cast %get3A_1061 : vector<1x16xf32> to vector<16xf32>
    %mul3A_1063 = arith.mulf %add3A_869, %get3A_1062 : vector<16xf32>
    %add3A_1064 = arith.addf %add3A_1057, %mul3A_1063 : vector<16xf32>
    %get3A_1065 = arith.constant 1 : i32
    %get3A_1066 = arith.index_cast %get3A_1065 : i32 to index
    %get3A_1067 = arith.constant 64 : index
    %get3A_1068 = tpu.vector_load %arg8[%get3A_1066, %get3A_1067] {strides = array<i32>} : memref<8x128xf32, #tpu.memory_space<vmem>>, vector<1x16xf32>,
    %get3A_1069 = vector.shape_cast %get3A_1068 : vector<1x16xf32> to vector<16xf32>
    %mul3A_1070 = arith.mulf %add3A_881, %get3A_1069 : vector<16xf32>
    %add3A_1071 = arith.addf %add3A_1064, %mul3A_1070 : vector<16xf32>
    %get3A_1072 = arith.constant 1 : i32
    %get3A_1073 = arith.index_cast %get3A_1072 : i32 to index
    %get3A_1074 = arith.constant 80 : index
    %get3A_1075 = tpu.vector_load %arg8[%get3A_1073, %get3A_1074] {strides = array<i32>} : memref<8x128xf32, #tpu.memory_space<vmem>>, vector<1x16xf32>,
    %get3A_1076 = vector.shape_cast %get3A_1075 : vector<1x16xf32> to vector<16xf32>
    %mul3A_1077 = arith.mulf %add3A_893, %get3A_1076 : vector<16xf32>
    %add3A_1078 = arith.addf %add3A_1071, %mul3A_1077 : vector<16xf32>
    %get3A_1079 = arith.constant 1 : i32
    %get3A_1080 = arith.index_cast %get3A_1079 : i32 to index
    %get3A_1081 = arith.constant 96 : index
    %get3A_1082 = tpu.vector_load %arg8[%get3A_1080, %get3A_1081] {strides = array<i32>} : memref<8x128xf32, #tpu.memory_space<vmem>>, vector<1x16xf32>,
    %get3A_1083 = vector.shape_cast %get3A_1082 : vector<1x16xf32> to vector<16xf32>
    %mul3A_1084 = arith.mulf %add3A_905, %get3A_1083 : vector<16xf32>
    %add3A_1085 = arith.addf %add3A_1078, %mul3A_1084 : vector<16xf32>
    %get3A_1086 = arith.constant 1 : i32
    %get3A_1087 = arith.index_cast %get3A_1086 : i32 to index
    %get3A_1088 = arith.constant 112 : index
    %get3A_1089 = tpu.vector_load %arg8[%get3A_1087, %get3A_1088] {strides = array<i32>} : memref<8x128xf32, #tpu.memory_space<vmem>>, vector<1x16xf32>,
    %get3A_1090 = vector.shape_cast %get3A_1089 : vector<1x16xf32> to vector<16xf32>
    %mul3A_1091 = arith.mulf %add3A_917, %get3A_1090 : vector<16xf32>
    %add3A_1092 = arith.addf %add3A_1085, %mul3A_1091 : vector<16xf32>
    %xor3A_1093 = arith.constant 8 : i32
    %xor3A_1094 = vector.broadcast %xor3A_1093 : i32 to vector<16xi32>
    %xor3A_1095 = arith.xori %iota3A, %xor3A_1094 : vector<16xi32>
    %lt3A_1096 = arith.constant 0 : i32
    %lt3A_1097 = vector.broadcast %lt3A_1096 : i32 to vector<16xi32>
    %lt3A_1098 = arith.cmpi slt, %xor3A_1095, %lt3A_1097 : vector<16xi32>
    %add3A_1099 = arith.constant 16 : i32
    %add3A_1100 = vector.broadcast %add3A_1099 : i32 to vector<16xi32>
    %add3A_1101 = arith.addi %xor3A_1095, %add3A_1100 : vector<16xi32>
    %select_n3A_1102 = arith.select %lt3A_1098, %add3A_1101, %xor3A_1095 : vector<16xi1>, vector<16xi32>
    %broadcast_in_dim3A_1103 = vector.shape_cast %select_n3A_1102 : vector<16xi32> to vector<16x1xi32>
    %gather3A_1104 = vector.shape_cast %broadcast_in_dim3A_1103 : vector<16x1xi32> to vector<16xi32>
    %gather3A_1105 = tpu.dynamic_gather %add3A_1092[%gather3A_1104] in [0] : vector<16xf32>, vector<16xi32> -> vector<16xf32>
    %add3A_1106 = arith.addf %add3A_1092, %gather3A_1105 : vector<16xf32>
    %xor3A_1107 = arith.constant 4 : i32
    %xor3A_1108 = vector.broadcast %xor3A_1107 : i32 to vector<16xi32>
    %xor3A_1109 = arith.xori %iota3A, %xor3A_1108 : vector<16xi32>
    %lt3A_1110 = arith.constant 0 : i32
    %lt3A_1111 = vector.broadcast %lt3A_1110 : i32 to vector<16xi32>
    %lt3A_1112 = arith.cmpi slt, %xor3A_1109, %lt3A_1111 : vector<16xi32>
    %add3A_1113 = arith.constant 16 : i32
    %add3A_1114 = vector.broadcast %add3A_1113 : i32 to vector<16xi32>
    %add3A_1115 = arith.addi %xor3A_1109, %add3A_1114 : vector<16xi32>
    %select_n3A_1116 = arith.select %lt3A_1112, %add3A_1115, %xor3A_1109 : vector<16xi1>, vector<16xi32>
    %broadcast_in_dim3A_1117 = vector.shape_cast %select_n3A_1116 : vector<16xi32> to vector<16x1xi32>
    %gather3A_1118 = vector.shape_cast %broadcast_in_dim3A_1117 : vector<16x1xi32> to vector<16xi32>
    %gather3A_1119 = tpu.dynamic_gather %add3A_1106[%gather3A_1118] in [0] : vector<16xf32>, vector<16xi32> -> vector<16xf32>
    %add3A_1120 = arith.addf %add3A_1106, %gather3A_1119 : vector<16xf32>
    %xor3A_1121 = arith.constant 2 : i32
    %xor3A_1122 = vector.broadcast %xor3A_1121 : i32 to vector<16xi32>
    %xor3A_1123 = arith.xori %iota3A, %xor3A_1122 : vector<16xi32>
    %lt3A_1124 = arith.constant 0 : i32
    %lt3A_1125 = vector.broadcast %lt3A_1124 : i32 to vector<16xi32>
    %lt3A_1126 = arith.cmpi slt, %xor3A_1123, %lt3A_1125 : vector<16xi32>
    %add3A_1127 = arith.constant 16 : i32
    %add3A_1128 = vector.broadcast %add3A_1127 : i32 to vector<16xi32>
    %add3A_1129 = arith.addi %xor3A_1123, %add3A_1128 : vector<16xi32>
    %select_n3A_1130 = arith.select %lt3A_1126, %add3A_1129, %xor3A_1123 : vector<16xi1>, vector<16xi32>
    %broadcast_in_dim3A_1131 = vector.shape_cast %select_n3A_1130 : vector<16xi32> to vector<16x1xi32>
    %gather3A_1132 = vector.shape_cast %broadcast_in_dim3A_1131 : vector<16x1xi32> to vector<16xi32>
    %gather3A_1133 = tpu.dynamic_gather %add3A_1120[%gather3A_1132] in [0] : vector<16xf32>, vector<16xi32> -> vector<16xf32>
    %add3A_1134 = arith.addf %add3A_1120, %gather3A_1133 : vector<16xf32>
    %xor3A_1135 = arith.constant 1 : i32
    %xor3A_1136 = vector.broadcast %xor3A_1135 : i32 to vector<16xi32>
    %xor3A_1137 = arith.xori %iota3A, %xor3A_1136 : vector<16xi32>
    %lt3A_1138 = arith.constant 0 : i32
    %lt3A_1139 = vector.broadcast %lt3A_1138 : i32 to vector<16xi32>
    %lt3A_1140 = arith.cmpi slt, %xor3A_1137, %lt3A_1139 : vector<16xi32>
    %add3A_1141 = arith.constant 16 : i32
    %add3A_1142 = vector.broadcast %add3A_1141 : i32 to vector<16xi32>
    %add3A_1143 = arith.addi %xor3A_1137, %add3A_1142 : vector<16xi32>
    %select_n3A_1144 = arith.select %lt3A_1140, %add3A_1143, %xor3A_1137 : vector<16xi1>, vector<16xi32>
    %broadcast_in_dim3A_1145 = vector.shape_cast %select_n3A_1144 : vector<16xi32> to vector<16x1xi32>
    %gather3A_1146 = vector.shape_cast %broadcast_in_dim3A_1145 : vector<16x1xi32> to vector<16xi32>
    %gather3A_1147 = tpu.dynamic_gather %add3A_1134[%gather3A_1146] in [0] : vector<16xf32>, vector<16xi32> -> vector<16xf32>
    %add3A_1148 = arith.addf %add3A_1134, %gather3A_1147 : vector<16xf32>
    %eq3A_1149 = arith.constant 1 : i32
    %eq3A_1150 = vector.broadcast %eq3A_1149 : i32 to vector<16xi32>
    %eq3A_1151 = arith.cmpi eq, %iota3A, %eq3A_1150 : vector<16xi32>
    %select_n3A_1152 = arith.select %eq3A_1151, %add3A_1148, %select_n3A_1037 : vector<16xi1>, vector<16xf32>
    %get3A_1153 = arith.constant 2 : i32
    %get3A_1154 = arith.index_cast %get3A_1153 : i32 to index
    %get3A_1155 = arith.constant 0 : index
    %get3A_1156 = tpu.vector_load %arg8[%get3A_1154, %get3A_1155] {strides = array<i32>} : memref<8x128xf32, #tpu.memory_space<vmem>>, vector<1x16xf32>,
    %get3A_1157 = vector.shape_cast %get3A_1156 : vector<1x16xf32> to vector<16xf32>
    %mul3A_1158 = arith.mulf %add3A_833, %get3A_1157 : vector<16xf32>
    %get3A_1159 = arith.constant 2 : i32
    %get3A_1160 = arith.index_cast %get3A_1159 : i32 to index
    %get3A_1161 = arith.constant 16 : index
    %get3A_1162 = tpu.vector_load %arg8[%get3A_1160, %get3A_1161] {strides = array<i32>} : memref<8x128xf32, #tpu.memory_space<vmem>>, vector<1x16xf32>,
    %get3A_1163 = vector.shape_cast %get3A_1162 : vector<1x16xf32> to vector<16xf32>
    %mul3A_1164 = arith.mulf %add3A_845, %get3A_1163 : vector<16xf32>
    %add3A_1165 = arith.addf %mul3A_1158, %mul3A_1164 : vector<16xf32>
    %get3A_1166 = arith.constant 2 : i32
    %get3A_1167 = arith.index_cast %get3A_1166 : i32 to index
    %get3A_1168 = arith.constant 32 : index
    %get3A_1169 = tpu.vector_load %arg8[%get3A_1167, %get3A_1168] {strides = array<i32>} : memref<8x128xf32, #tpu.memory_space<vmem>>, vector<1x16xf32>,
    %get3A_1170 = vector.shape_cast %get3A_1169 : vector<1x16xf32> to vector<16xf32>
    %mul3A_1171 = arith.mulf %add3A_857, %get3A_1170 : vector<16xf32>
    %add3A_1172 = arith.addf %add3A_1165, %mul3A_1171 : vector<16xf32>
    %get3A_1173 = arith.constant 2 : i32
    %get3A_1174 = arith.index_cast %get3A_1173 : i32 to index
    %get3A_1175 = arith.constant 48 : index
    %get3A_1176 = tpu.vector_load %arg8[%get3A_1174, %get3A_1175] {strides = array<i32>} : memref<8x128xf32, #tpu.memory_space<vmem>>, vector<1x16xf32>,
    %get3A_1177 = vector.shape_cast %get3A_1176 : vector<1x16xf32> to vector<16xf32>
    %mul3A_1178 = arith.mulf %add3A_869, %get3A_1177 : vector<16xf32>
    %add3A_1179 = arith.addf %add3A_1172, %mul3A_1178 : vector<16xf32>
    %get3A_1180 = arith.constant 2 : i32
    %get3A_1181 = arith.index_cast %get3A_1180 : i32 to index
    %get3A_1182 = arith.constant 64 : index
    %get3A_1183 = tpu.vector_load %arg8[%get3A_1181, %get3A_1182] {strides = array<i32>} : memref<8x128xf32, #tpu.memory_space<vmem>>, vector<1x16xf32>,
    %get3A_1184 = vector.shape_cast %get3A_1183 : vector<1x16xf32> to vector<16xf32>
    %mul3A_1185 = arith.mulf %add3A_881, %get3A_1184 : vector<16xf32>
    %add3A_1186 = arith.addf %add3A_1179, %mul3A_1185 : vector<16xf32>
    %get3A_1187 = arith.constant 2 : i32
    %get3A_1188 = arith.index_cast %get3A_1187 : i32 to index
    %get3A_1189 = arith.constant 80 : index
    %get3A_1190 = tpu.vector_load %arg8[%get3A_1188, %get3A_1189] {strides = array<i32>} : memref<8x128xf32, #tpu.memory_space<vmem>>, vector<1x16xf32>,
    %get3A_1191 = vector.shape_cast %get3A_1190 : vector<1x16xf32> to vector<16xf32>
    %mul3A_1192 = arith.mulf %add3A_893, %get3A_1191 : vector<16xf32>
    %add3A_1193 = arith.addf %add3A_1186, %mul3A_1192 : vector<16xf32>
    %get3A_1194 = arith.constant 2 : i32
    %get3A_1195 = arith.index_cast %get3A_1194 : i32 to index
    %get3A_1196 = arith.constant 96 : index
    %get3A_1197 = tpu.vector_load %arg8[%get3A_1195, %get3A_1196] {strides = array<i32>} : memref<8x128xf32, #tpu.memory_space<vmem>>, vector<1x16xf32>,
    %get3A_1198 = vector.shape_cast %get3A_1197 : vector<1x16xf32> to vector<16xf32>
    %mul3A_1199 = arith.mulf %add3A_905, %get3A_1198 : vector<16xf32>
    %add3A_1200 = arith.addf %add3A_1193, %mul3A_1199 : vector<16xf32>
    %get3A_1201 = arith.constant 2 : i32
    %get3A_1202 = arith.index_cast %get3A_1201 : i32 to index
    %get3A_1203 = arith.constant 112 : index
    %get3A_1204 = tpu.vector_load %arg8[%get3A_1202, %get3A_1203] {strides = array<i32>} : memref<8x128xf32, #tpu.memory_space<vmem>>, vector<1x16xf32>,
    %get3A_1205 = vector.shape_cast %get3A_1204 : vector<1x16xf32> to vector<16xf32>
    %mul3A_1206 = arith.mulf %add3A_917, %get3A_1205 : vector<16xf32>
    %add3A_1207 = arith.addf %add3A_1200, %mul3A_1206 : vector<16xf32>
    %xor3A_1208 = arith.constant 8 : i32
    %xor3A_1209 = vector.broadcast %xor3A_1208 : i32 to vector<16xi32>
    %xor3A_1210 = arith.xori %iota3A, %xor3A_1209 : vector<16xi32>
    %lt3A_1211 = arith.constant 0 : i32
    %lt3A_1212 = vector.broadcast %lt3A_1211 : i32 to vector<16xi32>
    %lt3A_1213 = arith.cmpi slt, %xor3A_1210, %lt3A_1212 : vector<16xi32>
    %add3A_1214 = arith.constant 16 : i32
    %add3A_1215 = vector.broadcast %add3A_1214 : i32 to vector<16xi32>
    %add3A_1216 = arith.addi %xor3A_1210, %add3A_1215 : vector<16xi32>
    %select_n3A_1217 = arith.select %lt3A_1213, %add3A_1216, %xor3A_1210 : vector<16xi1>, vector<16xi32>
    %broadcast_in_dim3A_1218 = vector.shape_cast %select_n3A_1217 : vector<16xi32> to vector<16x1xi32>
    %gather3A_1219 = vector.shape_cast %broadcast_in_dim3A_1218 : vector<16x1xi32> to vector<16xi32>
    %gather3A_1220 = tpu.dynamic_gather %add3A_1207[%gather3A_1219] in [0] : vector<16xf32>, vector<16xi32> -> vector<16xf32>
    %add3A_1221 = arith.addf %add3A_1207, %gather3A_1220 : vector<16xf32>
    %xor3A_1222 = arith.constant 4 : i32
    %xor3A_1223 = vector.broadcast %xor3A_1222 : i32 to vector<16xi32>
    %xor3A_1224 = arith.xori %iota3A, %xor3A_1223 : vector<16xi32>
    %lt3A_1225 = arith.constant 0 : i32
    %lt3A_1226 = vector.broadcast %lt3A_1225 : i32 to vector<16xi32>
    %lt3A_1227 = arith.cmpi slt, %xor3A_1224, %lt3A_1226 : vector<16xi32>
    %add3A_1228 = arith.constant 16 : i32
    %add3A_1229 = vector.broadcast %add3A_1228 : i32 to vector<16xi32>
    %add3A_1230 = arith.addi %xor3A_1224, %add3A_1229 : vector<16xi32>
    %select_n3A_1231 = arith.select %lt3A_1227, %add3A_1230, %xor3A_1224 : vector<16xi1>, vector<16xi32>
    %broadcast_in_dim3A_1232 = vector.shape_cast %select_n3A_1231 : vector<16xi32> to vector<16x1xi32>
    %gather3A_1233 = vector.shape_cast %broadcast_in_dim3A_1232 : vector<16x1xi32> to vector<16xi32>
    %gather3A_1234 = tpu.dynamic_gather %add3A_1221[%gather3A_1233] in [0] : vector<16xf32>, vector<16xi32> -> vector<16xf32>
    %add3A_1235 = arith.addf %add3A_1221, %gather3A_1234 : vector<16xf32>
    %xor3A_1236 = arith.constant 2 : i32
    %xor3A_1237 = vector.broadcast %xor3A_1236 : i32 to vector<16xi32>
    %xor3A_1238 = arith.xori %iota3A, %xor3A_1237 : vector<16xi32>
    %lt3A_1239 = arith.constant 0 : i32
    %lt3A_1240 = vector.broadcast %lt3A_1239 : i32 to vector<16xi32>
    %lt3A_1241 = arith.cmpi slt, %xor3A_1238, %lt3A_1240 : vector<16xi32>
    %add3A_1242 = arith.constant 16 : i32
    %add3A_1243 = vector.broadcast %add3A_1242 : i32 to vector<16xi32>
    %add3A_1244 = arith.addi %xor3A_1238, %add3A_1243 : vector<16xi32>
    %select_n3A_1245 = arith.select %lt3A_1241, %add3A_1244, %xor3A_1238 : vector<16xi1>, vector<16xi32>
    %broadcast_in_dim3A_1246 = vector.shape_cast %select_n3A_1245 : vector<16xi32> to vector<16x1xi32>
    %gather3A_1247 = vector.shape_cast %broadcast_in_dim3A_1246 : vector<16x1xi32> to vector<16xi32>
    %gather3A_1248 = tpu.dynamic_gather %add3A_1235[%gather3A_1247] in [0] : vector<16xf32>, vector<16xi32> -> vector<16xf32>
    %add3A_1249 = arith.addf %add3A_1235, %gather3A_1248 : vector<16xf32>
    %xor3A_1250 = arith.constant 1 : i32
    %xor3A_1251 = vector.broadcast %xor3A_1250 : i32 to vector<16xi32>
    %xor3A_1252 = arith.xori %iota3A, %xor3A_1251 : vector<16xi32>
    %lt3A_1253 = arith.constant 0 : i32
    %lt3A_1254 = vector.broadcast %lt3A_1253 : i32 to vector<16xi32>
    %lt3A_1255 = arith.cmpi slt, %xor3A_1252, %lt3A_1254 : vector<16xi32>
    %add3A_1256 = arith.constant 16 : i32
    %add3A_1257 = vector.broadcast %add3A_1256 : i32 to vector<16xi32>
    %add3A_1258 = arith.addi %xor3A_1252, %add3A_1257 : vector<16xi32>
    %select_n3A_1259 = arith.select %lt3A_1255, %add3A_1258, %xor3A_1252 : vector<16xi1>, vector<16xi32>
    %broadcast_in_dim3A_1260 = vector.shape_cast %select_n3A_1259 : vector<16xi32> to vector<16x1xi32>
    %gather3A_1261 = vector.shape_cast %broadcast_in_dim3A_1260 : vector<16x1xi32> to vector<16xi32>
    %gather3A_1262 = tpu.dynamic_gather %add3A_1249[%gather3A_1261] in [0] : vector<16xf32>, vector<16xi32> -> vector<16xf32>
    %add3A_1263 = arith.addf %add3A_1249, %gather3A_1262 : vector<16xf32>
    %eq3A_1264 = arith.constant 2 : i32
    %eq3A_1265 = vector.broadcast %eq3A_1264 : i32 to vector<16xi32>
    %eq3A_1266 = arith.cmpi eq, %iota3A, %eq3A_1265 : vector<16xi32>
    %select_n3A_1267 = arith.select %eq3A_1266, %add3A_1263, %select_n3A_1152 : vector<16xi1>, vector<16xf32>
    %get3A_1268 = arith.constant 3 : i32
    %get3A_1269 = arith.index_cast %get3A_1268 : i32 to index
    %get3A_1270 = arith.constant 0 : index
    %get3A_1271 = tpu.vector_load %arg8[%get3A_1269, %get3A_1270] {strides = array<i32>} : memref<8x128xf32, #tpu.memory_space<vmem>>, vector<1x16xf32>,
    %get3A_1272 = vector.shape_cast %get3A_1271 : vector<1x16xf32> to vector<16xf32>
    %mul3A_1273 = arith.mulf %add3A_833, %get3A_1272 : vector<16xf32>
    %get3A_1274 = arith.constant 3 : i32
    %get3A_1275 = arith.index_cast %get3A_1274 : i32 to index
    %get3A_1276 = arith.constant 16 : index
    %get3A_1277 = tpu.vector_load %arg8[%get3A_1275, %get3A_1276] {strides = array<i32>} : memref<8x128xf32, #tpu.memory_space<vmem>>, vector<1x16xf32>,
    %get3A_1278 = vector.shape_cast %get3A_1277 : vector<1x16xf32> to vector<16xf32>
    %mul3A_1279 = arith.mulf %add3A_845, %get3A_1278 : vector<16xf32>
    %add3A_1280 = arith.addf %mul3A_1273, %mul3A_1279 : vector<16xf32>
    %get3A_1281 = arith.constant 3 : i32
    %get3A_1282 = arith.index_cast %get3A_1281 : i32 to index
    %get3A_1283 = arith.constant 32 : index
    %get3A_1284 = tpu.vector_load %arg8[%get3A_1282, %get3A_1283] {strides = array<i32>} : memref<8x128xf32, #tpu.memory_space<vmem>>, vector<1x16xf32>,
    %get3A_1285 = vector.shape_cast %get3A_1284 : vector<1x16xf32> to vector<16xf32>
    %mul3A_1286 = arith.mulf %add3A_857, %get3A_1285 : vector<16xf32>
    %add3A_1287 = arith.addf %add3A_1280, %mul3A_1286 : vector<16xf32>
    %get3A_1288 = arith.constant 3 : i32
    %get3A_1289 = arith.index_cast %get3A_1288 : i32 to index
    %get3A_1290 = arith.constant 48 : index
    %get3A_1291 = tpu.vector_load %arg8[%get3A_1289, %get3A_1290] {strides = array<i32>} : memref<8x128xf32, #tpu.memory_space<vmem>>, vector<1x16xf32>,
    %get3A_1292 = vector.shape_cast %get3A_1291 : vector<1x16xf32> to vector<16xf32>
    %mul3A_1293 = arith.mulf %add3A_869, %get3A_1292 : vector<16xf32>
    %add3A_1294 = arith.addf %add3A_1287, %mul3A_1293 : vector<16xf32>
    %get3A_1295 = arith.constant 3 : i32
    %get3A_1296 = arith.index_cast %get3A_1295 : i32 to index
    %get3A_1297 = arith.constant 64 : index
    %get3A_1298 = tpu.vector_load %arg8[%get3A_1296, %get3A_1297] {strides = array<i32>} : memref<8x128xf32, #tpu.memory_space<vmem>>, vector<1x16xf32>,
    %get3A_1299 = vector.shape_cast %get3A_1298 : vector<1x16xf32> to vector<16xf32>
    %mul3A_1300 = arith.mulf %add3A_881, %get3A_1299 : vector<16xf32>
    %add3A_1301 = arith.addf %add3A_1294, %mul3A_1300 : vector<16xf32>
    %get3A_1302 = arith.constant 3 : i32
    %get3A_1303 = arith.index_cast %get3A_1302 : i32 to index
    %get3A_1304 = arith.constant 80 : index
    %get3A_1305 = tpu.vector_load %arg8[%get3A_1303, %get3A_1304] {strides = array<i32>} : memref<8x128xf32, #tpu.memory_space<vmem>>, vector<1x16xf32>,
    %get3A_1306 = vector.shape_cast %get3A_1305 : vector<1x16xf32> to vector<16xf32>
    %mul3A_1307 = arith.mulf %add3A_893, %get3A_1306 : vector<16xf32>
    %add3A_1308 = arith.addf %add3A_1301, %mul3A_1307 : vector<16xf32>
    %get3A_1309 = arith.constant 3 : i32
    %get3A_1310 = arith.index_cast %get3A_1309 : i32 to index
    %get3A_1311 = arith.constant 96 : index
    %get3A_1312 = tpu.vector_load %arg8[%get3A_1310, %get3A_1311] {strides = array<i32>} : memref<8x128xf32, #tpu.memory_space<vmem>>, vector<1x16xf32>,
    %get3A_1313 = vector.shape_cast %get3A_1312 : vector<1x16xf32> to vector<16xf32>
    %mul3A_1314 = arith.mulf %add3A_905, %get3A_1313 : vector<16xf32>
    %add3A_1315 = arith.addf %add3A_1308, %mul3A_1314 : vector<16xf32>
    %get3A_1316 = arith.constant 3 : i32
    %get3A_1317 = arith.index_cast %get3A_1316 : i32 to index
    %get3A_1318 = arith.constant 112 : index
    %get3A_1319 = tpu.vector_load %arg8[%get3A_1317, %get3A_1318] {strides = array<i32>} : memref<8x128xf32, #tpu.memory_space<vmem>>, vector<1x16xf32>,
    %get3A_1320 = vector.shape_cast %get3A_1319 : vector<1x16xf32> to vector<16xf32>
    %mul3A_1321 = arith.mulf %add3A_917, %get3A_1320 : vector<16xf32>
    %add3A_1322 = arith.addf %add3A_1315, %mul3A_1321 : vector<16xf32>
    %xor3A_1323 = arith.constant 8 : i32
    %xor3A_1324 = vector.broadcast %xor3A_1323 : i32 to vector<16xi32>
    %xor3A_1325 = arith.xori %iota3A, %xor3A_1324 : vector<16xi32>
    %lt3A_1326 = arith.constant 0 : i32
    %lt3A_1327 = vector.broadcast %lt3A_1326 : i32 to vector<16xi32>
    %lt3A_1328 = arith.cmpi slt, %xor3A_1325, %lt3A_1327 : vector<16xi32>
    %add3A_1329 = arith.constant 16 : i32
    %add3A_1330 = vector.broadcast %add3A_1329 : i32 to vector<16xi32>
    %add3A_1331 = arith.addi %xor3A_1325, %add3A_1330 : vector<16xi32>
    %select_n3A_1332 = arith.select %lt3A_1328, %add3A_1331, %xor3A_1325 : vector<16xi1>, vector<16xi32>
    %broadcast_in_dim3A_1333 = vector.shape_cast %select_n3A_1332 : vector<16xi32> to vector<16x1xi32>
    %gather3A_1334 = vector.shape_cast %broadcast_in_dim3A_1333 : vector<16x1xi32> to vector<16xi32>
    %gather3A_1335 = tpu.dynamic_gather %add3A_1322[%gather3A_1334] in [0] : vector<16xf32>, vector<16xi32> -> vector<16xf32>
    %add3A_1336 = arith.addf %add3A_1322, %gather3A_1335 : vector<16xf32>
    %xor3A_1337 = arith.constant 4 : i32
    %xor3A_1338 = vector.broadcast %xor3A_1337 : i32 to vector<16xi32>
    %xor3A_1339 = arith.xori %iota3A, %xor3A_1338 : vector<16xi32>
    %lt3A_1340 = arith.constant 0 : i32
    %lt3A_1341 = vector.broadcast %lt3A_1340 : i32 to vector<16xi32>
    %lt3A_1342 = arith.cmpi slt, %xor3A_1339, %lt3A_1341 : vector<16xi32>
    %add3A_1343 = arith.constant 16 : i32
    %add3A_1344 = vector.broadcast %add3A_1343 : i32 to vector<16xi32>
    %add3A_1345 = arith.addi %xor3A_1339, %add3A_1344 : vector<16xi32>
    %select_n3A_1346 = arith.select %lt3A_1342, %add3A_1345, %xor3A_1339 : vector<16xi1>, vector<16xi32>
    %broadcast_in_dim3A_1347 = vector.shape_cast %select_n3A_1346 : vector<16xi32> to vector<16x1xi32>
    %gather3A_1348 = vector.shape_cast %broadcast_in_dim3A_1347 : vector<16x1xi32> to vector<16xi32>
    %gather3A_1349 = tpu.dynamic_gather %add3A_1336[%gather3A_1348] in [0] : vector<16xf32>, vector<16xi32> -> vector<16xf32>
    %add3A_1350 = arith.addf %add3A_1336, %gather3A_1349 : vector<16xf32>
    %xor3A_1351 = arith.constant 2 : i32
    %xor3A_1352 = vector.broadcast %xor3A_1351 : i32 to vector<16xi32>
    %xor3A_1353 = arith.xori %iota3A, %xor3A_1352 : vector<16xi32>
    %lt3A_1354 = arith.constant 0 : i32
    %lt3A_1355 = vector.broadcast %lt3A_1354 : i32 to vector<16xi32>
    %lt3A_1356 = arith.cmpi slt, %xor3A_1353, %lt3A_1355 : vector<16xi32>
    %add3A_1357 = arith.constant 16 : i32
    %add3A_1358 = vector.broadcast %add3A_1357 : i32 to vector<16xi32>
    %add3A_1359 = arith.addi %xor3A_1353, %add3A_1358 : vector<16xi32>
    %select_n3A_1360 = arith.select %lt3A_1356, %add3A_1359, %xor3A_1353 : vector<16xi1>, vector<16xi32>
    %broadcast_in_dim3A_1361 = vector.shape_cast %select_n3A_1360 : vector<16xi32> to vector<16x1xi32>
    %gather3A_1362 = vector.shape_cast %broadcast_in_dim3A_1361 : vector<16x1xi32> to vector<16xi32>
    %gather3A_1363 = tpu.dynamic_gather %add3A_1350[%gather3A_1362] in [0] : vector<16xf32>, vector<16xi32> -> vector<16xf32>
    %add3A_1364 = arith.addf %add3A_1350, %gather3A_1363 : vector<16xf32>
    %xor3A_1365 = arith.constant 1 : i32
    %xor3A_1366 = vector.broadcast %xor3A_1365 : i32 to vector<16xi32>
    %xor3A_1367 = arith.xori %iota3A, %xor3A_1366 : vector<16xi32>
    %lt3A_1368 = arith.constant 0 : i32
    %lt3A_1369 = vector.broadcast %lt3A_1368 : i32 to vector<16xi32>
    %lt3A_1370 = arith.cmpi slt, %xor3A_1367, %lt3A_1369 : vector<16xi32>
    %add3A_1371 = arith.constant 16 : i32
    %add3A_1372 = vector.broadcast %add3A_1371 : i32 to vector<16xi32>
    %add3A_1373 = arith.addi %xor3A_1367, %add3A_1372 : vector<16xi32>
    %select_n3A_1374 = arith.select %lt3A_1370, %add3A_1373, %xor3A_1367 : vector<16xi1>, vector<16xi32>
    %broadcast_in_dim3A_1375 = vector.shape_cast %select_n3A_1374 : vector<16xi32> to vector<16x1xi32>
    %gather3A_1376 = vector.shape_cast %broadcast_in_dim3A_1375 : vector<16x1xi32> to vector<16xi32>
    %gather3A_1377 = tpu.dynamic_gather %add3A_1364[%gather3A_1376] in [0] : vector<16xf32>, vector<16xi32> -> vector<16xf32>
    %add3A_1378 = arith.addf %add3A_1364, %gather3A_1377 : vector<16xf32>
    %eq3A_1379 = arith.constant 3 : i32
    %eq3A_1380 = vector.broadcast %eq3A_1379 : i32 to vector<16xi32>
    %eq3A_1381 = arith.cmpi eq, %iota3A, %eq3A_1380 : vector<16xi32>
    %select_n3A_1382 = arith.select %eq3A_1381, %add3A_1378, %select_n3A_1267 : vector<16xi1>, vector<16xf32>
    %get3A_1383 = arith.constant 4 : i32
    %get3A_1384 = arith.index_cast %get3A_1383 : i32 to index
    %get3A_1385 = arith.constant 0 : index
    %get3A_1386 = tpu.vector_load %arg8[%get3A_1384, %get3A_1385] {strides = array<i32>} : memref<8x128xf32, #tpu.memory_space<vmem>>, vector<1x16xf32>,
    %get3A_1387 = vector.shape_cast %get3A_1386 : vector<1x16xf32> to vector<16xf32>
    %mul3A_1388 = arith.mulf %add3A_833, %get3A_1387 : vector<16xf32>
    %get3A_1389 = arith.constant 4 : i32
    %get3A_1390 = arith.index_cast %get3A_1389 : i32 to index
    %get3A_1391 = arith.constant 16 : index
    %get3A_1392 = tpu.vector_load %arg8[%get3A_1390, %get3A_1391] {strides = array<i32>} : memref<8x128xf32, #tpu.memory_space<vmem>>, vector<1x16xf32>,
    %get3A_1393 = vector.shape_cast %get3A_1392 : vector<1x16xf32> to vector<16xf32>
    %mul3A_1394 = arith.mulf %add3A_845, %get3A_1393 : vector<16xf32>
    %add3A_1395 = arith.addf %mul3A_1388, %mul3A_1394 : vector<16xf32>
    %get3A_1396 = arith.constant 4 : i32
    %get3A_1397 = arith.index_cast %get3A_1396 : i32 to index
    %get3A_1398 = arith.constant 32 : index
    %get3A_1399 = tpu.vector_load %arg8[%get3A_1397, %get3A_1398] {strides = array<i32>} : memref<8x128xf32, #tpu.memory_space<vmem>>, vector<1x16xf32>,
    %get3A_1400 = vector.shape_cast %get3A_1399 : vector<1x16xf32> to vector<16xf32>
    %mul3A_1401 = arith.mulf %add3A_857, %get3A_1400 : vector<16xf32>
    %add3A_1402 = arith.addf %add3A_1395, %mul3A_1401 : vector<16xf32>
    %get3A_1403 = arith.constant 4 : i32
    %get3A_1404 = arith.index_cast %get3A_1403 : i32 to index
    %get3A_1405 = arith.constant 48 : index
    %get3A_1406 = tpu.vector_load %arg8[%get3A_1404, %get3A_1405] {strides = array<i32>} : memref<8x128xf32, #tpu.memory_space<vmem>>, vector<1x16xf32>,
    %get3A_1407 = vector.shape_cast %get3A_1406 : vector<1x16xf32> to vector<16xf32>
    %mul3A_1408 = arith.mulf %add3A_869, %get3A_1407 : vector<16xf32>
    %add3A_1409 = arith.addf %add3A_1402, %mul3A_1408 : vector<16xf32>
    %get3A_1410 = arith.constant 4 : i32
    %get3A_1411 = arith.index_cast %get3A_1410 : i32 to index
    %get3A_1412 = arith.constant 64 : index
    %get3A_1413 = tpu.vector_load %arg8[%get3A_1411, %get3A_1412] {strides = array<i32>} : memref<8x128xf32, #tpu.memory_space<vmem>>, vector<1x16xf32>,
    %get3A_1414 = vector.shape_cast %get3A_1413 : vector<1x16xf32> to vector<16xf32>
    %mul3A_1415 = arith.mulf %add3A_881, %get3A_1414 : vector<16xf32>
    %add3A_1416 = arith.addf %add3A_1409, %mul3A_1415 : vector<16xf32>
    %get3A_1417 = arith.constant 4 : i32
    %get3A_1418 = arith.index_cast %get3A_1417 : i32 to index
    %get3A_1419 = arith.constant 80 : index
    %get3A_1420 = tpu.vector_load %arg8[%get3A_1418, %get3A_1419] {strides = array<i32>} : memref<8x128xf32, #tpu.memory_space<vmem>>, vector<1x16xf32>,
    %get3A_1421 = vector.shape_cast %get3A_1420 : vector<1x16xf32> to vector<16xf32>
    %mul3A_1422 = arith.mulf %add3A_893, %get3A_1421 : vector<16xf32>
    %add3A_1423 = arith.addf %add3A_1416, %mul3A_1422 : vector<16xf32>
    %get3A_1424 = arith.constant 4 : i32
    %get3A_1425 = arith.index_cast %get3A_1424 : i32 to index
    %get3A_1426 = arith.constant 96 : index
    %get3A_1427 = tpu.vector_load %arg8[%get3A_1425, %get3A_1426] {strides = array<i32>} : memref<8x128xf32, #tpu.memory_space<vmem>>, vector<1x16xf32>,
    %get3A_1428 = vector.shape_cast %get3A_1427 : vector<1x16xf32> to vector<16xf32>
    %mul3A_1429 = arith.mulf %add3A_905, %get3A_1428 : vector<16xf32>
    %add3A_1430 = arith.addf %add3A_1423, %mul3A_1429 : vector<16xf32>
    %get3A_1431 = arith.constant 4 : i32
    %get3A_1432 = arith.index_cast %get3A_1431 : i32 to index
    %get3A_1433 = arith.constant 112 : index
    %get3A_1434 = tpu.vector_load %arg8[%get3A_1432, %get3A_1433] {strides = array<i32>} : memref<8x128xf32, #tpu.memory_space<vmem>>, vector<1x16xf32>,
    %get3A_1435 = vector.shape_cast %get3A_1434 : vector<1x16xf32> to vector<16xf32>
    %mul3A_1436 = arith.mulf %add3A_917, %get3A_1435 : vector<16xf32>
    %add3A_1437 = arith.addf %add3A_1430, %mul3A_1436 : vector<16xf32>
    %xor3A_1438 = arith.constant 8 : i32
    %xor3A_1439 = vector.broadcast %xor3A_1438 : i32 to vector<16xi32>
    %xor3A_1440 = arith.xori %iota3A, %xor3A_1439 : vector<16xi32>
    %lt3A_1441 = arith.constant 0 : i32
    %lt3A_1442 = vector.broadcast %lt3A_1441 : i32 to vector<16xi32>
    %lt3A_1443 = arith.cmpi slt, %xor3A_1440, %lt3A_1442 : vector<16xi32>
    %add3A_1444 = arith.constant 16 : i32
    %add3A_1445 = vector.broadcast %add3A_1444 : i32 to vector<16xi32>
    %add3A_1446 = arith.addi %xor3A_1440, %add3A_1445 : vector<16xi32>
    %select_n3A_1447 = arith.select %lt3A_1443, %add3A_1446, %xor3A_1440 : vector<16xi1>, vector<16xi32>
    %broadcast_in_dim3A_1448 = vector.shape_cast %select_n3A_1447 : vector<16xi32> to vector<16x1xi32>
    %gather3A_1449 = vector.shape_cast %broadcast_in_dim3A_1448 : vector<16x1xi32> to vector<16xi32>
    %gather3A_1450 = tpu.dynamic_gather %add3A_1437[%gather3A_1449] in [0] : vector<16xf32>, vector<16xi32> -> vector<16xf32>
    %add3A_1451 = arith.addf %add3A_1437, %gather3A_1450 : vector<16xf32>
    %xor3A_1452 = arith.constant 4 : i32
    %xor3A_1453 = vector.broadcast %xor3A_1452 : i32 to vector<16xi32>
    %xor3A_1454 = arith.xori %iota3A, %xor3A_1453 : vector<16xi32>
    %lt3A_1455 = arith.constant 0 : i32
    %lt3A_1456 = vector.broadcast %lt3A_1455 : i32 to vector<16xi32>
    %lt3A_1457 = arith.cmpi slt, %xor3A_1454, %lt3A_1456 : vector<16xi32>
    %add3A_1458 = arith.constant 16 : i32
    %add3A_1459 = vector.broadcast %add3A_1458 : i32 to vector<16xi32>
    %add3A_1460 = arith.addi %xor3A_1454, %add3A_1459 : vector<16xi32>
    %select_n3A_1461 = arith.select %lt3A_1457, %add3A_1460, %xor3A_1454 : vector<16xi1>, vector<16xi32>
    %broadcast_in_dim3A_1462 = vector.shape_cast %select_n3A_1461 : vector<16xi32> to vector<16x1xi32>
    %gather3A_1463 = vector.shape_cast %broadcast_in_dim3A_1462 : vector<16x1xi32> to vector<16xi32>
    %gather3A_1464 = tpu.dynamic_gather %add3A_1451[%gather3A_1463] in [0] : vector<16xf32>, vector<16xi32> -> vector<16xf32>
    %add3A_1465 = arith.addf %add3A_1451, %gather3A_1464 : vector<16xf32>
    %xor3A_1466 = arith.constant 2 : i32
    %xor3A_1467 = vector.broadcast %xor3A_1466 : i32 to vector<16xi32>
    %xor3A_1468 = arith.xori %iota3A, %xor3A_1467 : vector<16xi32>
    %lt3A_1469 = arith.constant 0 : i32
    %lt3A_1470 = vector.broadcast %lt3A_1469 : i32 to vector<16xi32>
    %lt3A_1471 = arith.cmpi slt, %xor3A_1468, %lt3A_1470 : vector<16xi32>
    %add3A_1472 = arith.constant 16 : i32
    %add3A_1473 = vector.broadcast %add3A_1472 : i32 to vector<16xi32>
    %add3A_1474 = arith.addi %xor3A_1468, %add3A_1473 : vector<16xi32>
    %select_n3A_1475 = arith.select %lt3A_1471, %add3A_1474, %xor3A_1468 : vector<16xi1>, vector<16xi32>
    %broadcast_in_dim3A_1476 = vector.shape_cast %select_n3A_1475 : vector<16xi32> to vector<16x1xi32>
    %gather3A_1477 = vector.shape_cast %broadcast_in_dim3A_1476 : vector<16x1xi32> to vector<16xi32>
    %gather3A_1478 = tpu.dynamic_gather %add3A_1465[%gather3A_1477] in [0] : vector<16xf32>, vector<16xi32> -> vector<16xf32>
    %add3A_1479 = arith.addf %add3A_1465, %gather3A_1478 : vector<16xf32>
    %xor3A_1480 = arith.constant 1 : i32
    %xor3A_1481 = vector.broadcast %xor3A_1480 : i32 to vector<16xi32>
    %xor3A_1482 = arith.xori %iota3A, %xor3A_1481 : vector<16xi32>
    %lt3A_1483 = arith.constant 0 : i32
    %lt3A_1484 = vector.broadcast %lt3A_1483 : i32 to vector<16xi32>
    %lt3A_1485 = arith.cmpi slt, %xor3A_1482, %lt3A_1484 : vector<16xi32>
    %add3A_1486 = arith.constant 16 : i32
    %add3A_1487 = vector.broadcast %add3A_1486 : i32 to vector<16xi32>
    %add3A_1488 = arith.addi %xor3A_1482, %add3A_1487 : vector<16xi32>
    %select_n3A_1489 = arith.select %lt3A_1485, %add3A_1488, %xor3A_1482 : vector<16xi1>, vector<16xi32>
    %broadcast_in_dim3A_1490 = vector.shape_cast %select_n3A_1489 : vector<16xi32> to vector<16x1xi32>
    %gather3A_1491 = vector.shape_cast %broadcast_in_dim3A_1490 : vector<16x1xi32> to vector<16xi32>
    %gather3A_1492 = tpu.dynamic_gather %add3A_1479[%gather3A_1491] in [0] : vector<16xf32>, vector<16xi32> -> vector<16xf32>
    %add3A_1493 = arith.addf %add3A_1479, %gather3A_1492 : vector<16xf32>
    %eq3A_1494 = arith.constant 4 : i32
    %eq3A_1495 = vector.broadcast %eq3A_1494 : i32 to vector<16xi32>
    %eq3A_1496 = arith.cmpi eq, %iota3A, %eq3A_1495 : vector<16xi32>
    %select_n3A_1497 = arith.select %eq3A_1496, %add3A_1493, %select_n3A_1382 : vector<16xi1>, vector<16xf32>
    %get3A_1498 = arith.constant 5 : i32
    %get3A_1499 = arith.index_cast %get3A_1498 : i32 to index
    %get3A_1500 = arith.constant 0 : index
    %get3A_1501 = tpu.vector_load %arg8[%get3A_1499, %get3A_1500] {strides = array<i32>} : memref<8x128xf32, #tpu.memory_space<vmem>>, vector<1x16xf32>,
    %get3A_1502 = vector.shape_cast %get3A_1501 : vector<1x16xf32> to vector<16xf32>
    %mul3A_1503 = arith.mulf %add3A_833, %get3A_1502 : vector<16xf32>
    %get3A_1504 = arith.constant 5 : i32
    %get3A_1505 = arith.index_cast %get3A_1504 : i32 to index
    %get3A_1506 = arith.constant 16 : index
    %get3A_1507 = tpu.vector_load %arg8[%get3A_1505, %get3A_1506] {strides = array<i32>} : memref<8x128xf32, #tpu.memory_space<vmem>>, vector<1x16xf32>,
    %get3A_1508 = vector.shape_cast %get3A_1507 : vector<1x16xf32> to vector<16xf32>
    %mul3A_1509 = arith.mulf %add3A_845, %get3A_1508 : vector<16xf32>
    %add3A_1510 = arith.addf %mul3A_1503, %mul3A_1509 : vector<16xf32>
    %get3A_1511 = arith.constant 5 : i32
    %get3A_1512 = arith.index_cast %get3A_1511 : i32 to index
    %get3A_1513 = arith.constant 32 : index
    %get3A_1514 = tpu.vector_load %arg8[%get3A_1512, %get3A_1513] {strides = array<i32>} : memref<8x128xf32, #tpu.memory_space<vmem>>, vector<1x16xf32>,
    %get3A_1515 = vector.shape_cast %get3A_1514 : vector<1x16xf32> to vector<16xf32>
    %mul3A_1516 = arith.mulf %add3A_857, %get3A_1515 : vector<16xf32>
    %add3A_1517 = arith.addf %add3A_1510, %mul3A_1516 : vector<16xf32>
    %get3A_1518 = arith.constant 5 : i32
    %get3A_1519 = arith.index_cast %get3A_1518 : i32 to index
    %get3A_1520 = arith.constant 48 : index
    %get3A_1521 = tpu.vector_load %arg8[%get3A_1519, %get3A_1520] {strides = array<i32>} : memref<8x128xf32, #tpu.memory_space<vmem>>, vector<1x16xf32>,
    %get3A_1522 = vector.shape_cast %get3A_1521 : vector<1x16xf32> to vector<16xf32>
    %mul3A_1523 = arith.mulf %add3A_869, %get3A_1522 : vector<16xf32>
    %add3A_1524 = arith.addf %add3A_1517, %mul3A_1523 : vector<16xf32>
    %get3A_1525 = arith.constant 5 : i32
    %get3A_1526 = arith.index_cast %get3A_1525 : i32 to index
    %get3A_1527 = arith.constant 64 : index
    %get3A_1528 = tpu.vector_load %arg8[%get3A_1526, %get3A_1527] {strides = array<i32>} : memref<8x128xf32, #tpu.memory_space<vmem>>, vector<1x16xf32>,
    %get3A_1529 = vector.shape_cast %get3A_1528 : vector<1x16xf32> to vector<16xf32>
    %mul3A_1530 = arith.mulf %add3A_881, %get3A_1529 : vector<16xf32>
    %add3A_1531 = arith.addf %add3A_1524, %mul3A_1530 : vector<16xf32>
    %get3A_1532 = arith.constant 5 : i32
    %get3A_1533 = arith.index_cast %get3A_1532 : i32 to index
    %get3A_1534 = arith.constant 80 : index
    %get3A_1535 = tpu.vector_load %arg8[%get3A_1533, %get3A_1534] {strides = array<i32>} : memref<8x128xf32, #tpu.memory_space<vmem>>, vector<1x16xf32>,
    %get3A_1536 = vector.shape_cast %get3A_1535 : vector<1x16xf32> to vector<16xf32>
    %mul3A_1537 = arith.mulf %add3A_893, %get3A_1536 : vector<16xf32>
    %add3A_1538 = arith.addf %add3A_1531, %mul3A_1537 : vector<16xf32>
    %get3A_1539 = arith.constant 5 : i32
    %get3A_1540 = arith.index_cast %get3A_1539 : i32 to index
    %get3A_1541 = arith.constant 96 : index
    %get3A_1542 = tpu.vector_load %arg8[%get3A_1540, %get3A_1541] {strides = array<i32>} : memref<8x128xf32, #tpu.memory_space<vmem>>, vector<1x16xf32>,
    %get3A_1543 = vector.shape_cast %get3A_1542 : vector<1x16xf32> to vector<16xf32>
    %mul3A_1544 = arith.mulf %add3A_905, %get3A_1543 : vector<16xf32>
    %add3A_1545 = arith.addf %add3A_1538, %mul3A_1544 : vector<16xf32>
    %get3A_1546 = arith.constant 5 : i32
    %get3A_1547 = arith.index_cast %get3A_1546 : i32 to index
    %get3A_1548 = arith.constant 112 : index
    %get3A_1549 = tpu.vector_load %arg8[%get3A_1547, %get3A_1548] {strides = array<i32>} : memref<8x128xf32, #tpu.memory_space<vmem>>, vector<1x16xf32>,
    %get3A_1550 = vector.shape_cast %get3A_1549 : vector<1x16xf32> to vector<16xf32>
    %mul3A_1551 = arith.mulf %add3A_917, %get3A_1550 : vector<16xf32>
    %add3A_1552 = arith.addf %add3A_1545, %mul3A_1551 : vector<16xf32>
    %xor3A_1553 = arith.constant 8 : i32
    %xor3A_1554 = vector.broadcast %xor3A_1553 : i32 to vector<16xi32>
    %xor3A_1555 = arith.xori %iota3A, %xor3A_1554 : vector<16xi32>
    %lt3A_1556 = arith.constant 0 : i32
    %lt3A_1557 = vector.broadcast %lt3A_1556 : i32 to vector<16xi32>
    %lt3A_1558 = arith.cmpi slt, %xor3A_1555, %lt3A_1557 : vector<16xi32>
    %add3A_1559 = arith.constant 16 : i32
    %add3A_1560 = vector.broadcast %add3A_1559 : i32 to vector<16xi32>
    %add3A_1561 = arith.addi %xor3A_1555, %add3A_1560 : vector<16xi32>
    %select_n3A_1562 = arith.select %lt3A_1558, %add3A_1561, %xor3A_1555 : vector<16xi1>, vector<16xi32>
    %broadcast_in_dim3A_1563 = vector.shape_cast %select_n3A_1562 : vector<16xi32> to vector<16x1xi32>
    %gather3A_1564 = vector.shape_cast %broadcast_in_dim3A_1563 : vector<16x1xi32> to vector<16xi32>
    %gather3A_1565 = tpu.dynamic_gather %add3A_1552[%gather3A_1564] in [0] : vector<16xf32>, vector<16xi32> -> vector<16xf32>
    %add3A_1566 = arith.addf %add3A_1552, %gather3A_1565 : vector<16xf32>
    %xor3A_1567 = arith.constant 4 : i32
    %xor3A_1568 = vector.broadcast %xor3A_1567 : i32 to vector<16xi32>
    %xor3A_1569 = arith.xori %iota3A, %xor3A_1568 : vector<16xi32>
    %lt3A_1570 = arith.constant 0 : i32
    %lt3A_1571 = vector.broadcast %lt3A_1570 : i32 to vector<16xi32>
    %lt3A_1572 = arith.cmpi slt, %xor3A_1569, %lt3A_1571 : vector<16xi32>
    %add3A_1573 = arith.constant 16 : i32
    %add3A_1574 = vector.broadcast %add3A_1573 : i32 to vector<16xi32>
    %add3A_1575 = arith.addi %xor3A_1569, %add3A_1574 : vector<16xi32>
    %select_n3A_1576 = arith.select %lt3A_1572, %add3A_1575, %xor3A_1569 : vector<16xi1>, vector<16xi32>
    %broadcast_in_dim3A_1577 = vector.shape_cast %select_n3A_1576 : vector<16xi32> to vector<16x1xi32>
    %gather3A_1578 = vector.shape_cast %broadcast_in_dim3A_1577 : vector<16x1xi32> to vector<16xi32>
    %gather3A_1579 = tpu.dynamic_gather %add3A_1566[%gather3A_1578] in [0] : vector<16xf32>, vector<16xi32> -> vector<16xf32>
    %add3A_1580 = arith.addf %add3A_1566, %gather3A_1579 : vector<16xf32>
    %xor3A_1581 = arith.constant 2 : i32
    %xor3A_1582 = vector.broadcast %xor3A_1581 : i32 to vector<16xi32>
    %xor3A_1583 = arith.xori %iota3A, %xor3A_1582 : vector<16xi32>
    %lt3A_1584 = arith.constant 0 : i32
    %lt3A_1585 = vector.broadcast %lt3A_1584 : i32 to vector<16xi32>
    %lt3A_1586 = arith.cmpi slt, %xor3A_1583, %lt3A_1585 : vector<16xi32>
    %add3A_1587 = arith.constant 16 : i32
    %add3A_1588 = vector.broadcast %add3A_1587 : i32 to vector<16xi32>
    %add3A_1589 = arith.addi %xor3A_1583, %add3A_1588 : vector<16xi32>
    %select_n3A_1590 = arith.select %lt3A_1586, %add3A_1589, %xor3A_1583 : vector<16xi1>, vector<16xi32>
    %broadcast_in_dim3A_1591 = vector.shape_cast %select_n3A_1590 : vector<16xi32> to vector<16x1xi32>
    %gather3A_1592 = vector.shape_cast %broadcast_in_dim3A_1591 : vector<16x1xi32> to vector<16xi32>
    %gather3A_1593 = tpu.dynamic_gather %add3A_1580[%gather3A_1592] in [0] : vector<16xf32>, vector<16xi32> -> vector<16xf32>
    %add3A_1594 = arith.addf %add3A_1580, %gather3A_1593 : vector<16xf32>
    %xor3A_1595 = arith.constant 1 : i32
    %xor3A_1596 = vector.broadcast %xor3A_1595 : i32 to vector<16xi32>
    %xor3A_1597 = arith.xori %iota3A, %xor3A_1596 : vector<16xi32>
    %lt3A_1598 = arith.constant 0 : i32
    %lt3A_1599 = vector.broadcast %lt3A_1598 : i32 to vector<16xi32>
    %lt3A_1600 = arith.cmpi slt, %xor3A_1597, %lt3A_1599 : vector<16xi32>
    %add3A_1601 = arith.constant 16 : i32
    %add3A_1602 = vector.broadcast %add3A_1601 : i32 to vector<16xi32>
    %add3A_1603 = arith.addi %xor3A_1597, %add3A_1602 : vector<16xi32>
    %select_n3A_1604 = arith.select %lt3A_1600, %add3A_1603, %xor3A_1597 : vector<16xi1>, vector<16xi32>
    %broadcast_in_dim3A_1605 = vector.shape_cast %select_n3A_1604 : vector<16xi32> to vector<16x1xi32>
    %gather3A_1606 = vector.shape_cast %broadcast_in_dim3A_1605 : vector<16x1xi32> to vector<16xi32>
    %gather3A_1607 = tpu.dynamic_gather %add3A_1594[%gather3A_1606] in [0] : vector<16xf32>, vector<16xi32> -> vector<16xf32>
    %add3A_1608 = arith.addf %add3A_1594, %gather3A_1607 : vector<16xf32>
    %eq3A_1609 = arith.constant 5 : i32
    %eq3A_1610 = vector.broadcast %eq3A_1609 : i32 to vector<16xi32>
    %eq3A_1611 = arith.cmpi eq, %iota3A, %eq3A_1610 : vector<16xi32>
    %select_n3A_1612 = arith.select %eq3A_1611, %add3A_1608, %select_n3A_1497 : vector<16xi1>, vector<16xf32>
    %get3A_1613 = arith.constant 6 : i32
    %get3A_1614 = arith.index_cast %get3A_1613 : i32 to index
    %get3A_1615 = arith.constant 0 : index
    %get3A_1616 = tpu.vector_load %arg8[%get3A_1614, %get3A_1615] {strides = array<i32>} : memref<8x128xf32, #tpu.memory_space<vmem>>, vector<1x16xf32>,
    %get3A_1617 = vector.shape_cast %get3A_1616 : vector<1x16xf32> to vector<16xf32>
    %mul3A_1618 = arith.mulf %add3A_833, %get3A_1617 : vector<16xf32>
    %get3A_1619 = arith.constant 6 : i32
    %get3A_1620 = arith.index_cast %get3A_1619 : i32 to index
    %get3A_1621 = arith.constant 16 : index
    %get3A_1622 = tpu.vector_load %arg8[%get3A_1620, %get3A_1621] {strides = array<i32>} : memref<8x128xf32, #tpu.memory_space<vmem>>, vector<1x16xf32>,
    %get3A_1623 = vector.shape_cast %get3A_1622 : vector<1x16xf32> to vector<16xf32>
    %mul3A_1624 = arith.mulf %add3A_845, %get3A_1623 : vector<16xf32>
    %add3A_1625 = arith.addf %mul3A_1618, %mul3A_1624 : vector<16xf32>
    %get3A_1626 = arith.constant 6 : i32
    %get3A_1627 = arith.index_cast %get3A_1626 : i32 to index
    %get3A_1628 = arith.constant 32 : index
    %get3A_1629 = tpu.vector_load %arg8[%get3A_1627, %get3A_1628] {strides = array<i32>} : memref<8x128xf32, #tpu.memory_space<vmem>>, vector<1x16xf32>,
    %get3A_1630 = vector.shape_cast %get3A_1629 : vector<1x16xf32> to vector<16xf32>
    %mul3A_1631 = arith.mulf %add3A_857, %get3A_1630 : vector<16xf32>
    %add3A_1632 = arith.addf %add3A_1625, %mul3A_1631 : vector<16xf32>
    %get3A_1633 = arith.constant 6 : i32
    %get3A_1634 = arith.index_cast %get3A_1633 : i32 to index
    %get3A_1635 = arith.constant 48 : index
    %get3A_1636 = tpu.vector_load %arg8[%get3A_1634, %get3A_1635] {strides = array<i32>} : memref<8x128xf32, #tpu.memory_space<vmem>>, vector<1x16xf32>,
    %get3A_1637 = vector.shape_cast %get3A_1636 : vector<1x16xf32> to vector<16xf32>
    %mul3A_1638 = arith.mulf %add3A_869, %get3A_1637 : vector<16xf32>
    %add3A_1639 = arith.addf %add3A_1632, %mul3A_1638 : vector<16xf32>
    %get3A_1640 = arith.constant 6 : i32
    %get3A_1641 = arith.index_cast %get3A_1640 : i32 to index
    %get3A_1642 = arith.constant 64 : index
    %get3A_1643 = tpu.vector_load %arg8[%get3A_1641, %get3A_1642] {strides = array<i32>} : memref<8x128xf32, #tpu.memory_space<vmem>>, vector<1x16xf32>,
    %get3A_1644 = vector.shape_cast %get3A_1643 : vector<1x16xf32> to vector<16xf32>
    %mul3A_1645 = arith.mulf %add3A_881, %get3A_1644 : vector<16xf32>
    %add3A_1646 = arith.addf %add3A_1639, %mul3A_1645 : vector<16xf32>
    %get3A_1647 = arith.constant 6 : i32
    %get3A_1648 = arith.index_cast %get3A_1647 : i32 to index
    %get3A_1649 = arith.constant 80 : index
    %get3A_1650 = tpu.vector_load %arg8[%get3A_1648, %get3A_1649] {strides = array<i32>} : memref<8x128xf32, #tpu.memory_space<vmem>>, vector<1x16xf32>,
    %get3A_1651 = vector.shape_cast %get3A_1650 : vector<1x16xf32> to vector<16xf32>
    %mul3A_1652 = arith.mulf %add3A_893, %get3A_1651 : vector<16xf32>
    %add3A_1653 = arith.addf %add3A_1646, %mul3A_1652 : vector<16xf32>
    %get3A_1654 = arith.constant 6 : i32
    %get3A_1655 = arith.index_cast %get3A_1654 : i32 to index
    %get3A_1656 = arith.constant 96 : index
    %get3A_1657 = tpu.vector_load %arg8[%get3A_1655, %get3A_1656] {strides = array<i32>} : memref<8x128xf32, #tpu.memory_space<vmem>>, vector<1x16xf32>,
    %get3A_1658 = vector.shape_cast %get3A_1657 : vector<1x16xf32> to vector<16xf32>
    %mul3A_1659 = arith.mulf %add3A_905, %get3A_1658 : vector<16xf32>
    %add3A_1660 = arith.addf %add3A_1653, %mul3A_1659 : vector<16xf32>
    %get3A_1661 = arith.constant 6 : i32
    %get3A_1662 = arith.index_cast %get3A_1661 : i32 to index
    %get3A_1663 = arith.constant 112 : index
    %get3A_1664 = tpu.vector_load %arg8[%get3A_1662, %get3A_1663] {strides = array<i32>} : memref<8x128xf32, #tpu.memory_space<vmem>>, vector<1x16xf32>,
    %get3A_1665 = vector.shape_cast %get3A_1664 : vector<1x16xf32> to vector<16xf32>
    %mul3A_1666 = arith.mulf %add3A_917, %get3A_1665 : vector<16xf32>
    %add3A_1667 = arith.addf %add3A_1660, %mul3A_1666 : vector<16xf32>
    %xor3A_1668 = arith.constant 8 : i32
    %xor3A_1669 = vector.broadcast %xor3A_1668 : i32 to vector<16xi32>
    %xor3A_1670 = arith.xori %iota3A, %xor3A_1669 : vector<16xi32>
    %lt3A_1671 = arith.constant 0 : i32
    %lt3A_1672 = vector.broadcast %lt3A_1671 : i32 to vector<16xi32>
    %lt3A_1673 = arith.cmpi slt, %xor3A_1670, %lt3A_1672 : vector<16xi32>
    %add3A_1674 = arith.constant 16 : i32
    %add3A_1675 = vector.broadcast %add3A_1674 : i32 to vector<16xi32>
    %add3A_1676 = arith.addi %xor3A_1670, %add3A_1675 : vector<16xi32>
    %select_n3A_1677 = arith.select %lt3A_1673, %add3A_1676, %xor3A_1670 : vector<16xi1>, vector<16xi32>
    %broadcast_in_dim3A_1678 = vector.shape_cast %select_n3A_1677 : vector<16xi32> to vector<16x1xi32>
    %gather3A_1679 = vector.shape_cast %broadcast_in_dim3A_1678 : vector<16x1xi32> to vector<16xi32>
    %gather3A_1680 = tpu.dynamic_gather %add3A_1667[%gather3A_1679] in [0] : vector<16xf32>, vector<16xi32> -> vector<16xf32>
    %add3A_1681 = arith.addf %add3A_1667, %gather3A_1680 : vector<16xf32>
    %xor3A_1682 = arith.constant 4 : i32
    %xor3A_1683 = vector.broadcast %xor3A_1682 : i32 to vector<16xi32>
    %xor3A_1684 = arith.xori %iota3A, %xor3A_1683 : vector<16xi32>
    %lt3A_1685 = arith.constant 0 : i32
    %lt3A_1686 = vector.broadcast %lt3A_1685 : i32 to vector<16xi32>
    %lt3A_1687 = arith.cmpi slt, %xor3A_1684, %lt3A_1686 : vector<16xi32>
    %add3A_1688 = arith.constant 16 : i32
    %add3A_1689 = vector.broadcast %add3A_1688 : i32 to vector<16xi32>
    %add3A_1690 = arith.addi %xor3A_1684, %add3A_1689 : vector<16xi32>
    %select_n3A_1691 = arith.select %lt3A_1687, %add3A_1690, %xor3A_1684 : vector<16xi1>, vector<16xi32>
    %broadcast_in_dim3A_1692 = vector.shape_cast %select_n3A_1691 : vector<16xi32> to vector<16x1xi32>
    %gather3A_1693 = vector.shape_cast %broadcast_in_dim3A_1692 : vector<16x1xi32> to vector<16xi32>
    %gather3A_1694 = tpu.dynamic_gather %add3A_1681[%gather3A_1693] in [0] : vector<16xf32>, vector<16xi32> -> vector<16xf32>
    %add3A_1695 = arith.addf %add3A_1681, %gather3A_1694 : vector<16xf32>
    %xor3A_1696 = arith.constant 2 : i32
    %xor3A_1697 = vector.broadcast %xor3A_1696 : i32 to vector<16xi32>
    %xor3A_1698 = arith.xori %iota3A, %xor3A_1697 : vector<16xi32>
    %lt3A_1699 = arith.constant 0 : i32
    %lt3A_1700 = vector.broadcast %lt3A_1699 : i32 to vector<16xi32>
    %lt3A_1701 = arith.cmpi slt, %xor3A_1698, %lt3A_1700 : vector<16xi32>
    %add3A_1702 = arith.constant 16 : i32
    %add3A_1703 = vector.broadcast %add3A_1702 : i32 to vector<16xi32>
    %add3A_1704 = arith.addi %xor3A_1698, %add3A_1703 : vector<16xi32>
    %select_n3A_1705 = arith.select %lt3A_1701, %add3A_1704, %xor3A_1698 : vector<16xi1>, vector<16xi32>
    %broadcast_in_dim3A_1706 = vector.shape_cast %select_n3A_1705 : vector<16xi32> to vector<16x1xi32>
    %gather3A_1707 = vector.shape_cast %broadcast_in_dim3A_1706 : vector<16x1xi32> to vector<16xi32>
    %gather3A_1708 = tpu.dynamic_gather %add3A_1695[%gather3A_1707] in [0] : vector<16xf32>, vector<16xi32> -> vector<16xf32>
    %add3A_1709 = arith.addf %add3A_1695, %gather3A_1708 : vector<16xf32>
    %xor3A_1710 = arith.constant 1 : i32
    %xor3A_1711 = vector.broadcast %xor3A_1710 : i32 to vector<16xi32>
    %xor3A_1712 = arith.xori %iota3A, %xor3A_1711 : vector<16xi32>
    %lt3A_1713 = arith.constant 0 : i32
    %lt3A_1714 = vector.broadcast %lt3A_1713 : i32 to vector<16xi32>
    %lt3A_1715 = arith.cmpi slt, %xor3A_1712, %lt3A_1714 : vector<16xi32>
    %add3A_1716 = arith.constant 16 : i32
    %add3A_1717 = vector.broadcast %add3A_1716 : i32 to vector<16xi32>
    %add3A_1718 = arith.addi %xor3A_1712, %add3A_1717 : vector<16xi32>
    %select_n3A_1719 = arith.select %lt3A_1715, %add3A_1718, %xor3A_1712 : vector<16xi1>, vector<16xi32>
    %broadcast_in_dim3A_1720 = vector.shape_cast %select_n3A_1719 : vector<16xi32> to vector<16x1xi32>
    %gather3A_1721 = vector.shape_cast %broadcast_in_dim3A_1720 : vector<16x1xi32> to vector<16xi32>
    %gather3A_1722 = tpu.dynamic_gather %add3A_1709[%gather3A_1721] in [0] : vector<16xf32>, vector<16xi32> -> vector<16xf32>
    %add3A_1723 = arith.addf %add3A_1709, %gather3A_1722 : vector<16xf32>
    %eq3A_1724 = arith.constant 6 : i32
    %eq3A_1725 = vector.broadcast %eq3A_1724 : i32 to vector<16xi32>
    %eq3A_1726 = arith.cmpi eq, %iota3A, %eq3A_1725 : vector<16xi32>
    %select_n3A_1727 = arith.select %eq3A_1726, %add3A_1723, %select_n3A_1612 : vector<16xi1>, vector<16xf32>
    %get3A_1728 = arith.constant 7 : i32
    %get3A_1729 = arith.index_cast %get3A_1728 : i32 to index
    %get3A_1730 = arith.constant 0 : index
    %get3A_1731 = tpu.vector_load %arg8[%get3A_1729, %get3A_1730] {strides = array<i32>} : memref<8x128xf32, #tpu.memory_space<vmem>>, vector<1x16xf32>,
    %get3A_1732 = vector.shape_cast %get3A_1731 : vector<1x16xf32> to vector<16xf32>
    %mul3A_1733 = arith.mulf %add3A_833, %get3A_1732 : vector<16xf32>
    %get3A_1734 = arith.constant 7 : i32
    %get3A_1735 = arith.index_cast %get3A_1734 : i32 to index
    %get3A_1736 = arith.constant 16 : index
    %get3A_1737 = tpu.vector_load %arg8[%get3A_1735, %get3A_1736] {strides = array<i32>} : memref<8x128xf32, #tpu.memory_space<vmem>>, vector<1x16xf32>,
    %get3A_1738 = vector.shape_cast %get3A_1737 : vector<1x16xf32> to vector<16xf32>
    %mul3A_1739 = arith.mulf %add3A_845, %get3A_1738 : vector<16xf32>
    %add3A_1740 = arith.addf %mul3A_1733, %mul3A_1739 : vector<16xf32>
    %get3A_1741 = arith.constant 7 : i32
    %get3A_1742 = arith.index_cast %get3A_1741 : i32 to index
    %get3A_1743 = arith.constant 32 : index
    %get3A_1744 = tpu.vector_load %arg8[%get3A_1742, %get3A_1743] {strides = array<i32>} : memref<8x128xf32, #tpu.memory_space<vmem>>, vector<1x16xf32>,
    %get3A_1745 = vector.shape_cast %get3A_1744 : vector<1x16xf32> to vector<16xf32>
    %mul3A_1746 = arith.mulf %add3A_857, %get3A_1745 : vector<16xf32>
    %add3A_1747 = arith.addf %add3A_1740, %mul3A_1746 : vector<16xf32>
    %get3A_1748 = arith.constant 7 : i32
    %get3A_1749 = arith.index_cast %get3A_1748 : i32 to index
    %get3A_1750 = arith.constant 48 : index
    %get3A_1751 = tpu.vector_load %arg8[%get3A_1749, %get3A_1750] {strides = array<i32>} : memref<8x128xf32, #tpu.memory_space<vmem>>, vector<1x16xf32>,
    %get3A_1752 = vector.shape_cast %get3A_1751 : vector<1x16xf32> to vector<16xf32>
    %mul3A_1753 = arith.mulf %add3A_869, %get3A_1752 : vector<16xf32>
    %add3A_1754 = arith.addf %add3A_1747, %mul3A_1753 : vector<16xf32>
    %get3A_1755 = arith.constant 7 : i32
    %get3A_1756 = arith.index_cast %get3A_1755 : i32 to index
    %get3A_1757 = arith.constant 64 : index
    %get3A_1758 = tpu.vector_load %arg8[%get3A_1756, %get3A_1757] {strides = array<i32>} : memref<8x128xf32, #tpu.memory_space<vmem>>, vector<1x16xf32>,
    %get3A_1759 = vector.shape_cast %get3A_1758 : vector<1x16xf32> to vector<16xf32>
    %mul3A_1760 = arith.mulf %add3A_881, %get3A_1759 : vector<16xf32>
    %add3A_1761 = arith.addf %add3A_1754, %mul3A_1760 : vector<16xf32>
    %get3A_1762 = arith.constant 7 : i32
    %get3A_1763 = arith.index_cast %get3A_1762 : i32 to index
    %get3A_1764 = arith.constant 80 : index
    %get3A_1765 = tpu.vector_load %arg8[%get3A_1763, %get3A_1764] {strides = array<i32>} : memref<8x128xf32, #tpu.memory_space<vmem>>, vector<1x16xf32>,
    %get3A_1766 = vector.shape_cast %get3A_1765 : vector<1x16xf32> to vector<16xf32>
    %mul3A_1767 = arith.mulf %add3A_893, %get3A_1766 : vector<16xf32>
    %add3A_1768 = arith.addf %add3A_1761, %mul3A_1767 : vector<16xf32>
    %get3A_1769 = arith.constant 7 : i32
    %get3A_1770 = arith.index_cast %get3A_1769 : i32 to index
    %get3A_1771 = arith.constant 96 : index
    %get3A_1772 = tpu.vector_load %arg8[%get3A_1770, %get3A_1771] {strides = array<i32>} : memref<8x128xf32, #tpu.memory_space<vmem>>, vector<1x16xf32>,
    %get3A_1773 = vector.shape_cast %get3A_1772 : vector<1x16xf32> to vector<16xf32>
    %mul3A_1774 = arith.mulf %add3A_905, %get3A_1773 : vector<16xf32>
    %add3A_1775 = arith.addf %add3A_1768, %mul3A_1774 : vector<16xf32>
    %get3A_1776 = arith.constant 7 : i32
    %get3A_1777 = arith.index_cast %get3A_1776 : i32 to index
    %get3A_1778 = arith.constant 112 : index
    %get3A_1779 = tpu.vector_load %arg8[%get3A_1777, %get3A_1778] {strides = array<i32>} : memref<8x128xf32, #tpu.memory_space<vmem>>, vector<1x16xf32>,
    %get3A_1780 = vector.shape_cast %get3A_1779 : vector<1x16xf32> to vector<16xf32>
    %mul3A_1781 = arith.mulf %add3A_917, %get3A_1780 : vector<16xf32>
    %add3A_1782 = arith.addf %add3A_1775, %mul3A_1781 : vector<16xf32>
    %xor3A_1783 = arith.constant 8 : i32
    %xor3A_1784 = vector.broadcast %xor3A_1783 : i32 to vector<16xi32>
    %xor3A_1785 = arith.xori %iota3A, %xor3A_1784 : vector<16xi32>
    %lt3A_1786 = arith.constant 0 : i32
    %lt3A_1787 = vector.broadcast %lt3A_1786 : i32 to vector<16xi32>
    %lt3A_1788 = arith.cmpi slt, %xor3A_1785, %lt3A_1787 : vector<16xi32>
    %add3A_1789 = arith.constant 16 : i32
    %add3A_1790 = vector.broadcast %add3A_1789 : i32 to vector<16xi32>
    %add3A_1791 = arith.addi %xor3A_1785, %add3A_1790 : vector<16xi32>
    %select_n3A_1792 = arith.select %lt3A_1788, %add3A_1791, %xor3A_1785 : vector<16xi1>, vector<16xi32>
    %broadcast_in_dim3A_1793 = vector.shape_cast %select_n3A_1792 : vector<16xi32> to vector<16x1xi32>
    %gather3A_1794 = vector.shape_cast %broadcast_in_dim3A_1793 : vector<16x1xi32> to vector<16xi32>
    %gather3A_1795 = tpu.dynamic_gather %add3A_1782[%gather3A_1794] in [0] : vector<16xf32>, vector<16xi32> -> vector<16xf32>
    %add3A_1796 = arith.addf %add3A_1782, %gather3A_1795 : vector<16xf32>
    %xor3A_1797 = arith.constant 4 : i32
    %xor3A_1798 = vector.broadcast %xor3A_1797 : i32 to vector<16xi32>
    %xor3A_1799 = arith.xori %iota3A, %xor3A_1798 : vector<16xi32>
    %lt3A_1800 = arith.constant 0 : i32
    %lt3A_1801 = vector.broadcast %lt3A_1800 : i32 to vector<16xi32>
    %lt3A_1802 = arith.cmpi slt, %xor3A_1799, %lt3A_1801 : vector<16xi32>
    %add3A_1803 = arith.constant 16 : i32
    %add3A_1804 = vector.broadcast %add3A_1803 : i32 to vector<16xi32>
    %add3A_1805 = arith.addi %xor3A_1799, %add3A_1804 : vector<16xi32>
    %select_n3A_1806 = arith.select %lt3A_1802, %add3A_1805, %xor3A_1799 : vector<16xi1>, vector<16xi32>
    %broadcast_in_dim3A_1807 = vector.shape_cast %select_n3A_1806 : vector<16xi32> to vector<16x1xi32>
    %gather3A_1808 = vector.shape_cast %broadcast_in_dim3A_1807 : vector<16x1xi32> to vector<16xi32>
    %gather3A_1809 = tpu.dynamic_gather %add3A_1796[%gather3A_1808] in [0] : vector<16xf32>, vector<16xi32> -> vector<16xf32>
    %add3A_1810 = arith.addf %add3A_1796, %gather3A_1809 : vector<16xf32>
    %xor3A_1811 = arith.constant 2 : i32
    %xor3A_1812 = vector.broadcast %xor3A_1811 : i32 to vector<16xi32>
    %xor3A_1813 = arith.xori %iota3A, %xor3A_1812 : vector<16xi32>
    %lt3A_1814 = arith.constant 0 : i32
    %lt3A_1815 = vector.broadcast %lt3A_1814 : i32 to vector<16xi32>
    %lt3A_1816 = arith.cmpi slt, %xor3A_1813, %lt3A_1815 : vector<16xi32>
    %add3A_1817 = arith.constant 16 : i32
    %add3A_1818 = vector.broadcast %add3A_1817 : i32 to vector<16xi32>
    %add3A_1819 = arith.addi %xor3A_1813, %add3A_1818 : vector<16xi32>
    %select_n3A_1820 = arith.select %lt3A_1816, %add3A_1819, %xor3A_1813 : vector<16xi1>, vector<16xi32>
    %broadcast_in_dim3A_1821 = vector.shape_cast %select_n3A_1820 : vector<16xi32> to vector<16x1xi32>
    %gather3A_1822 = vector.shape_cast %broadcast_in_dim3A_1821 : vector<16x1xi32> to vector<16xi32>
    %gather3A_1823 = tpu.dynamic_gather %add3A_1810[%gather3A_1822] in [0] : vector<16xf32>, vector<16xi32> -> vector<16xf32>
    %add3A_1824 = arith.addf %add3A_1810, %gather3A_1823 : vector<16xf32>
    %xor3A_1825 = arith.constant 1 : i32
    %xor3A_1826 = vector.broadcast %xor3A_1825 : i32 to vector<16xi32>
    %xor3A_1827 = arith.xori %iota3A, %xor3A_1826 : vector<16xi32>
    %lt3A_1828 = arith.constant 0 : i32
    %lt3A_1829 = vector.broadcast %lt3A_1828 : i32 to vector<16xi32>
    %lt3A_1830 = arith.cmpi slt, %xor3A_1827, %lt3A_1829 : vector<16xi32>
    %add3A_1831 = arith.constant 16 : i32
    %add3A_1832 = vector.broadcast %add3A_1831 : i32 to vector<16xi32>
    %add3A_1833 = arith.addi %xor3A_1827, %add3A_1832 : vector<16xi32>
    %select_n3A_1834 = arith.select %lt3A_1830, %add3A_1833, %xor3A_1827 : vector<16xi1>, vector<16xi32>
    %broadcast_in_dim3A_1835 = vector.shape_cast %select_n3A_1834 : vector<16xi32> to vector<16x1xi32>
    %gather3A_1836 = vector.shape_cast %broadcast_in_dim3A_1835 : vector<16x1xi32> to vector<16xi32>
    %gather3A_1837 = tpu.dynamic_gather %add3A_1824[%gather3A_1836] in [0] : vector<16xf32>, vector<16xi32> -> vector<16xf32>
    %add3A_1838 = arith.addf %add3A_1824, %gather3A_1837 : vector<16xf32>
    %eq3A_1839 = arith.constant 7 : i32
    %eq3A_1840 = vector.broadcast %eq3A_1839 : i32 to vector<16xi32>
    %eq3A_1841 = arith.cmpi eq, %iota3A, %eq3A_1840 : vector<16xi32>
    %select_n3A_1842 = arith.select %eq3A_1841, %add3A_1838, %select_n3A_1727 : vector<16xi1>, vector<16xf32>
    %swap3A_1843 = arith.constant 0 : index
    %swap3A_1844 = tpu.vector_load %arg11[%swap3A_1843] {strides = array<i32>} : memref<16xf32, #tpu.memory_space<vmem>>, vector<16xf32>,
    %swap3A_1845 = vector.shape_cast %swap3A_1844 : vector<16xf32> to vector<16xf32>
    %swap3A_1846 = vector.shape_cast %select_n3A_1842 : vector<16xf32> to vector<16xf32>
    tpu.vector_store %arg11[%swap3A_1843], %swap3A_1846 {strides = array<i32>} : memref<16xf32, #tpu.memory_space<vmem>>, vector<16xf32>,
    %mul3A_1847 = arith.constant 8 : i32
    %mul3A_1848 = arith.muli %arg1, %mul3A_1847 : i32
    "tpu.region"() ({
      %run_scoped3A = tpu.sem_alloc : memref<!tpu.dma_semaphore, #tpu.memory_space<semaphore_mem>>
      %dma_start3A_1849 = arith.constant 0 : i32
      %dma_start3A_1850 = tpu.memref_slice %arg11[%dma_start3A_1849] : memref<16xf32, #tpu.memory_space<vmem>> -> memref<8xf32, #tpu.memory_space<vmem>>
      %dma_start3A_1851 = tpu.memref_slice %arg5[%mul3A_1848] : memref<128xf32, #tpu.memory_space<hbm>> -> memref<8xf32, #tpu.memory_space<hbm>>
      %dma_start3A_1852 = tpu.memref_slice %arg5[%mul3A_1848] : memref<128xf32, #tpu.memory_space<hbm>> -> memref<8xf32, #tpu.memory_space<hbm>>
      %dma_start3A_1853 = arith.constant 0 : i32
      %dma_start3A_1854 = tpu.memref_slice %arg11[%dma_start3A_1853] : memref<16xf32, #tpu.memory_space<vmem>> -> memref<8xf32, #tpu.memory_space<vmem>>
      tpu.enqueue_dma source(%dma_start3A_1854 : memref<8xf32, #tpu.memory_space<vmem>>) target(%dma_start3A_1852 : memref<8xf32, #tpu.memory_space<hbm>>) target_semaphore(%run_scoped3A : memref<!tpu.dma_semaphore, #tpu.memory_space<semaphore_mem>>)
      %dma_wait3A_1855 = arith.constant 0 : i32
      %dma_wait3A_1856 = tpu.memref_slice %arg11[%dma_wait3A_1855] : memref<16xf32, #tpu.memory_space<vmem>> -> memref<8xf32, #tpu.memory_space<vmem>>
      %dma_wait3A_1857 = tpu.memref_slice %arg5[%mul3A_1848] : memref<128xf32, #tpu.memory_space<hbm>> -> memref<8xf32, #tpu.memory_space<hbm>>
      %dma_wait3A_1858 = tpu.memref_slice %arg5[%mul3A_1848] : memref<128xf32, #tpu.memory_space<hbm>> -> memref<8xf32, #tpu.memory_space<hbm>>
      %dma_wait3A_1859 = arith.constant 0 : i32
      %dma_wait3A_1860 = tpu.memref_slice %arg11[%dma_wait3A_1859] : memref<16xf32, #tpu.memory_space<vmem>> -> memref<8xf32, #tpu.memory_space<vmem>>
      tpu.wait_dma2 semaphore(%run_scoped3A : memref<!tpu.dma_semaphore, #tpu.memory_space<semaphore_mem>>) src(%dma_wait3A_1860 : memref<8xf32, #tpu.memory_space<vmem>>) dst(%dma_wait3A_1858 : memref<8xf32, #tpu.memory_space<hbm>>)
      tpu.yield
    }) : () -> ()
    return
  }
}

</mosaic_0001>

<sc_bundles>
// kernel: kernel.3.cloned.1.call-start
scs
__scs_entry_jumppad:
0x0: {  	(pc) =	sbr.rel $0x88, $3  }
0x1: {  	(tag) =	ssettag $0x0;
	lr =	simm.s32 $0x1  }
0x2: {  	[smem:$0x3F9E] =	sst lr;
	_ =	strace $0xD0000000  }
0x3: {  	_ = 	snop  }
0x4: {  	_ = 	snop  }
0x5: {  	_ = 	snop  }
0x6: {  	_ = 	snop  }
0x7: {  	_ = 	snop  }
__scs_overlays_trampoline_lowered:
0x8: {  	[smem:$0x3FAD] =	sst s0  }
0x9: {  	[smem:$0x3FAE] =	sst s1  }
0xa: {  	[smem:$0x3FAF] =	sst s2  }
0xb: {  	[smem:$0x3FB0] =	sst s3  }
0xc: {  	[smem:$0x3FB1] =	sst s4  }
0xd: {  	[smem:$0x3FB2] =	sst s5  }
0xe: {  	[smem:$0x3FB3] =	sst s6  }
0xf: {  	[smem:$0x3FB4] =	sst s7  }
0x10: {  	[smem:$0x3FB5] =	sst s8  }
0x11: {  	[smem:$0x3FB6] =	sst s9;
	s0 =	simm.s32 @!p0 $0x0  }
0x12: {  	s1 =	sld [smem:$0x3F9C];
	s0 =	simm.s32 @p0 $0x1  }
0x13: {  	[smem:$0x3FB7] =	sst s0;
	s0 =	simm.s32 @!p1 $0x0  }
0x14: {  	s2 =	sld [smem:$0x3F9B];
	s0 =	simm.s32 @p1 $0x1  }
0x15: {  	[smem:$0x3FB8] =	sst s0;
	s0 =	simm.s32 @!p2 $0x0  }
0x16: {  	s3 =	sld [smem:$0x3FDB];
	s0 =	simm.s32 @p2 $0x1  }
0x17: {  	s4 =	simm.s32 $0x1BF5;
	[smem:$0x3FBA] =	sst s0  }
0x18: {  	s0 =	sld [smem:$0x3F9D];
	_ =	swait.ge [sflag:s4], $0x0  }
0x19: {  	s7 =	sld [smem:$0x3F9E]  }
0x1a: {  	s8 =	sadd.s32 $0xFFFFE003, lr  }
0x1b: {  	s9 =	sadd.s32 $0xFFFFFEF7, lr;
	s5 =	simm.s32 $0xFFFFFFFF;
	p2 =	slt.u32 s8, $0xFFFFF086  }
0x1c: {  	p1 =	slt.u32 s9, $0xF7A;
	s5 =	simm.s32 @!p2 $0x0  }
0x1d: {  	s5 =	simm.s32 @p1 $0x1;
	p0 =	seq.s32 s7, s2  }
0x1e: {  	s7 =	smul.u32 @!p0 $0xF7A, s2;
	p2 =	seq.s32 @!p0 s5, $0x0  }
0x1f: {  	s9 =	smul.u32 $0xF7A, s1;
	s8 =	simm.s32 @!p0 $0x1BF5;
	p2 =	por !p2, p0  }
0x20: {  	[sflag:s8] =	ssyncset.s32 @!p0 $0xFFFFF086;
	s6 =	sadd.s32 @!p0 s3, s7;
	s7 =	simm.s32 @!p0 $0x108  }
0x21: {  	s3 =	sadd.s32 s3, s9;
	s6 =	sadd.s32 @!p0 $0x88, s6;
	s7 =	simm.s32 @p2 $0x1082  }
0x22: {  	[simem:s7], [sflag:s8] =	dma.local @!p0 [hbm:s6], $0xF7A  }
0x23: {  	s9 =	sor.u32 $0xD0000000, s2;
	s6 =	simm.s32 $0x108;
	_ =	swait.ge @!p0 [sflag:s8], $0x0  }
0x24: {  	s3 =	sadd.s32 $0x88, s3;
	s6 =	simm.s32 @!p1 $0x1082;
	[sflag:s4] =	ssyncset.s32 $0xFFFFF086  }
0x25: {  	[simem:s6], [sflag:s4] =	dma.local [hbm:s3], $0xF7A  }
0x26: {  	[smem:$0x3F9E] =	sst s1;
	(tag) =	ssettag s2;
	_ =	strace s9  }
0x27: {  	s1 =	sld [smem:$0x3FAE]  }
0x28: {  	s2 =	sld [smem:$0x3FAF]  }
0x29: {  	s4 =	sld [smem:$0x3FB1]  }
0x2a: {  	p0 =	seq.s32 s5, $0x0;
	s5 =	sld [smem:$0x3FB2]  }
0x2b: {  	s6 =	sld [smem:$0x3FB3]  }
0x2c: {  	s7 =	sld [smem:$0x3FB4]  }
0x2d: {  	s3 =	simm.s32 $0x108;
	s8 =	sld [smem:$0x3FB5]  }
0x2e: {  	s3 =	simm.s32 @!p0 $0x1082;
	s9 =	sld [smem:$0x3FB6]  }
0x2f: {  	lr =	sadd.s32 s0, s3;
	s0 =	sld [smem:$0x3FAD]  }
0x30: {  	s3 =	sld [smem:$0x3FB0]  }
0x31: {  	[smem:$0x3FB9] =	sst s10  }
0x32: {  	s10 =	sld [smem:$0x3FB7];
	_ =	sdelay $0x3  }
0x33: {  	p0 =	seq.s32 s10, $0x1;
	s10 =	sld [smem:$0x3FB9];
	_ =	sdelay $0x3  }
0x34: {  	[smem:$0x3FB9] =	sst s10  }
0x35: {  	s10 =	sld [smem:$0x3FB8];
	_ =	sdelay $0x3  }
0x36: {  	p1 =	seq.s32 s10, $0x1;
	s10 =	sld [smem:$0x3FB9];
	_ =	sdelay $0x3  }
0x37: {  	[smem:$0x3FB9] =	sst s10  }
0x38: {  	s10 =	sld [smem:$0x3FBA]  }
0x39: {  	_ = 	snop;
	(pc) =	sbr.ind lr, $3  }
0x3a: {  	_ = 	snop  }
0x3b: {  	_ = 	snop  }
0x3c: {  	p2 =	seq.s32 s10, $0x1;
	s10 =	sld [smem:$0x3FB9]  }
0x3d: {  	_ =	shalt  }
0x3e: {  	_ =	shalt  }
0x3f: {  	_ =	shalt  }
0x40: {  	_ =	shalt  }
0x41: {  	_ =	shalt  }
0x42: {  	_ =	shalt  }
0x43: {  	_ =	shalt  }
0x44: {  	_ =	shalt  }
0x45: {  	_ =	shalt  }
0x46: {  	_ =	shalt  }
0x47: {  	_ =	shalt  }
0x48: {  	_ =	shalt  }
0x49: {  	_ =	shalt  }
0x4a: {  	_ =	shalt  }
0x4b: {  	_ =	shalt  }
0x4c: {  	_ =	shalt  }
0x4d: {  	_ =	shalt  }
0x4e: {  	_ =	shalt  }
0x4f: {  	_ =	shalt  }
0x50: {  	_ =	shalt  }
0x51: {  	_ =	shalt  }
0x52: {  	_ =	shalt  }
0x53: {  	_ =	shalt  }
0x54: {  	_ =	shalt  }
0x55: {  	_ =	shalt  }
0x56: {  	_ =	shalt  }
0x57: {  	_ =	shalt  }
0x58: {  	_ =	shalt  }
0x59: {  	_ =	shalt  }
0x5a: {  	_ =	shalt  }
0x5b: {  	_ =	shalt  }
0x5c: {  	_ =	shalt  }
0x5d: {  	_ =	shalt  }
0x5e: {  	_ =	shalt  }
0x5f: {  	_ =	shalt  }
0x60: {  	_ =	shalt  }
0x61: {  	_ =	shalt  }
0x62: {  	_ =	shalt  }
0x63: {  	_ =	shalt  }
0x64: {  	_ =	shalt  }
0x65: {  	_ =	shalt  }
0x66: {  	_ =	shalt  }
0x67: {  	_ =	shalt  }
0x68: {  	_ =	shalt  }
0x69: {  	_ =	shalt  }
0x6a: {  	_ =	shalt  }
0x6b: {  	_ =	shalt  }
0x6c: {  	_ =	shalt  }
0x6d: {  	_ =	shalt  }
0x6e: {  	_ =	shalt  }
0x6f: {  	_ =	shalt  }
0x70: {  	_ =	shalt  }
0x71: {  	_ =	shalt  }
0x72: {  	_ =	shalt  }
0x73: {  	_ =	shalt  }
0x74: {  	_ =	shalt  }
0x75: {  	_ =	shalt  }
0x76: {  	_ =	shalt  }
0x77: {  	_ =	shalt  }
0x78: {  	_ =	shalt  }
0x79: {  	_ =	shalt  }
0x7a: {  	_ =	shalt  }
0x7b: {  	_ =	shalt  }
0x7c: {  	_ =	shalt  }
0x7d: {  	_ =	shalt  }
0x7e: {  	_ =	shalt  }
0x7f: {  	_ =	shalt  }
0x80: {  	_ =	shalt  }
0x81: {  	_ =	shalt  }
0x82: {  	_ =	shalt  }
0x83: {  	_ =	shalt  }
0x84: {  	_ =	shalt  }
0x85: {  	_ =	shalt  }
0x86: {  	_ =	shalt  }
0x87: {  	_ =	shalt  }
.Lfunc_end0:
.L_simem_size_0:
called_computation_lowered:
.L_overlay_start_0:
0x88: {  	s0 =	sld [smem:$0x3FD9]  }
0x89: {  	s1 =	sld [smem:$0x3FFE];
	_ =	sdelay $0x3  }
0x8a: {  	s0 =	sadd.s32 s1, s0  }
0x8b: {  	[smem:$0x3FC5] =	sst s0  }
0x8c: {  	_ = 	snop  }
0x8d: {  	s0 =	sld [smem:$0x3FC9]  }
0x8e: {  	s17 =	sld [smem:$0x3FC8]  }
0x8f: {  	s2 =	sld [smem:$0x3FC7]  }
0x90: {  	s3 =	sld [smem:$0x3FD0];
	(tm) =	ssettm $0x1  }
0x91: {  	s4 =	sld [smem:$0x3FFB];
	_ =	sdelay $0x3  }
0x92: {  	_ =	strace s4  }
0x93: {  	s4 =	sld [smem:$0x3FFC];
	_ =	sdelay $0x3  }
0x94: {  	_ =	strace s4  }
0x95: {  	s4 =	sld [smem:$0x3FFD];
	_ =	sdelay $0x3  }
0x96: {  	_ =	strace s4  }
0x97: {  	_ =	strace $0x8FFFFFFF  }
0x98: {  	s18 =	sld [smem:$0x3FDB];
	_ =	sdelay $0x1  }
0x99: {  	s5 =	simm.s32 $_scs_section_size  }
0x9a: {  	s6 =	simm.s32 $_size__tile_overlayer_lowered;
	s7 =	simm.s32 $_tile_overlayer_lowered  }
0x9b: {  	s21 =	simm.s32 $0x1BFF;
	s20 =	sshll.u32 s7, $0x1;
	s4 =	sadd.s32 s5, s18  }
0x9c: {  	s8 =	simm.s32 $0x0;
	s19 =	sshll.u32 s6, $0x1;
	s6 =	sadd.s32 s20, s4  }
0x9d: {  	[timem:s8], [sflag:s21] =	dma.local [hbm:s6], s19  }
0x9e: {  	_ =	swait.ge [sflag:s21], s19  }
0x9f: {  	s5 =	ssub.s32 $0x0, s19;
	[sflag:s21] =	ssyncset.done $0x0  }
0xa0: {  	[sflag:s21] =	ssyncadd.s32 s5;
	_ =	sdelay $0x1  }
0xa1: {  	s22 =	simm.s32 $0x1B8B  }
0xa2: {  	_ =	swait.ge [sflag:s22], $0x1  }
0xa3: {  	[sflag:s22] =	ssyncset.done $0x0  }
0xa4: {  	s23 =	simm.s32 $0x1B8E;
	[sflag:s22] =	ssyncadd.s32 $0xFFFFFFFF  }
0xa5: {  	s24 =	simm.s32 $execute0_lowered;
	[smem:$0x3FD2] =	sst s23  }
0xa6: {  	s5 =	sshll.u32 s24, $0x1;
	_ =	strace $0x80000046;
	[dreg:$0x1] =	wrdreg $0xFFFFFFFF  }
0xa7: {  	s25 =	simm.s32 $_size_execute0_lowered;
	s4 =	sadd.s32 s4, s5;
	[dreg:$0x0] =	wrdreg $0x0  }
0xa8: {  	s5 =	sshll.u32 s25, $0x1;
	[dreg:$0x2] =	wrdreg s4  }
0xa9: {  	[dreg:$0x3] =	wrdreg s5  }
0xaa: {  	[dreg:$0x4] =	wrdreg $0xC0  }
0xab: {  	_ =	task [dreg:s8], $0x5FFFF  }
0xac: {  	[dreg:$0x1] =	wrdreg $0xFFFFFFFF  }
0xad: {  	[dreg:$0x0] =	wrdreg $0x60  }
0xae: {  	[dreg:$0x2] =	wrdreg s0  }
0xaf: {  	[dreg:$0x3] =	wrdreg s17  }
0xb0: {  	[dreg:$0x4] =	wrdreg s2  }
0xb1: {  	[dreg:$0x5] =	wrdreg s3  }
0xb2: {  	[dreg:$0x6] =	wrdreg $0x9  }
0xb3: {  	_ =	task.clear_ibuf [dreg:s8], $0x7FFFF;
	_ =	strace $0x90000046  }
0xb4: {  	s26 =	simm.s32 $0x9;
	_ =	strace $0x80000048  }
0xb5: {  	_ =	swait.ge [sflag:s26], $0x1  }
0xb6: {  	[sflag:s26] =	ssyncadd.s32 $0xFFFFFFFF  }
0xb7: {  	_ =	strace $0x90000048  }
0xb8: {  	_ =	sfence  }
0xb9: {  	s28 =	sld [smem:$0x0];
	_ =	sdelay $0x1  }
0xba: {  	s29 =	srdreg.scid  }
0xbb: {  	s30 =	sshll.u32 s29, $0xD;
	s31 =	sshrl.u32 s29, $0x2  }
0xbc: {  	s1 =	sand.u32 $0x1, s29;
	s2 =	sand.u32 $0x4000, s30;
	s0 =	sadd.s32 s31, s28  }
0xbd: {  	s1 =	sor.u32 s2, s1;
	s0 =	sshll.u32 s0, $0x11  }
0xbe: {  	s0 =	sor.u32 s0, s1  }
0xbf: {  	s0 =	sadd.s32 $0x8F2B, s0  }
0xc0: {  	[sflag:s0] =	ssyncadd.remote.s32 $0x1  }
0xc1: {  	_ =	sfence.sel $0xFFFF  }
0xc2: {  	[dreg:$0x0] =	wrdreg $0xFFFFFFFF;
	(pc) =	sbr.abs _section_cstart, $3  }
0xc3: {  	[dreg:$0x1] =	wrdreg $0xFFFFFFFF  }
0xc4: {  	_ =	task.clear_ibuf [dreg:s8], $0x2FFFF;
	_ =	strace $0x9FFFFFFF  }
0xc5: {  	(tm) =	ssettm $0x7FFFFFFF  }
tec
execute0_lowered:
.L_overlay_start_1:
0x0: {  	(tag) =	ssettag $0x1  }
0x1: {  	s4 =	rddreg [dreg:$0x0]  }
0x2: {  	s5 =	rddreg [dreg:$0x1]  }
0x3: {  	s6 =	rddreg [dreg:$0x2]  }
0x4: {  	s3 =	rddreg [dreg:$0x3]  }
0x5: {  	s0 =	rddreg [dreg:$0x4];
	s2 =	simm.s32 $0x0;
	s1 =	stileid.u32  }
0x6: {  	[smem:$0x7FF] =	sst s2;
	s7 =	sshll.u32 s1, $0x7  }
0x7: {  	s22 =	simm.s32 $0x900;
	_ =	strace $0x80000047;
	s6 =	sadd.s32 s6, s7  }
0x8: {  	v0 =	vimm.s32 $0x0;
	[tilespmem:s22], [sflag:$0x1] =	stream.linear.gather [hbm4b:s6+s2], $0x400, $0x38;
	[tilespmem:$0xE00] =	vst v63  }
0x9: {  	[tilespmem:$0xC0] =	vst v0  }
0xa: {  	[tilespmem:$0xD0] =	vst v0  }
0xb: {  	[tilespmem:$0xE0] =	vst v0  }
0xc: {  	s23 =	simm.s32 $0x4;
	[tilespmem:$0xF0] =	vst v0  }
0xd: {  	[tilespmem:s2], [sflag:$0x4] =	stream.linear.gather [hbm4b:s4+s2], $0xC8, $0x38;
	[tilespmem:$0xE00] =	vst v63  }
0xe: {  	_ =	swait.ge [sflag:s23], $0xC8  }
0xf: {  	s25 =	simm.s32 $0x8;
	[sflag:s23] =	ssyncset.done $0x0  }
0x10: {  	s8 =	simm.s32 $0x100;
	s24 =	sshll.u32 s1, $0x4;
	[sflag:s23] =	ssyncadd.s32 $0xFFFFFF38  }
0x11: {  	[tilespmem:s8], [sflag:$0x2] =	stream.indirect.gather [hbm4b:s5+s25], $0x80, s24, s25, $0xb8;
	[tilespmem:$0xE00] =	vst v63  }
0x12: {  	s26 =	simm.s32 $0x500;
	s28 =	simm.s32 $0x2;
	s6 =	sor.u32 $0x8, s24  }
0x13: {  	[tilespmem:s26], [sflag:$0x3] =	stream.indirect.gather [hbm4b:s5+s25], $0x80, s6, s25, $0xb8;
	[tilespmem:$0xE00] =	vst v63  }
0x14: {  	_ =	swait.ge [sflag:s28], $0x400  }
0x15: {  	[sflag:s28] =	ssyncset.done $0x0  }
0x16: {  	[sflag:s28] =	ssyncadd.s32 $0xFFFFFC00  }
0x17: {  	v0 =	vld [tilespmem:$0x100]  }
0x18: {  	v1 =	vld [tilespmem:$0x110]  }
0x19: {  	v2 =	vld [tilespmem:$0x120]  }
0x1a: {  	v3 =	vld [tilespmem:$0x130]  }
0x1b: {  	v4 =	vld [tilespmem:$0x140]  }
0x1c: {  	v5 =	vld [tilespmem:$0x150]  }
0x1d: {  	v6 =	vld [tilespmem:$0x160]  }
0x1e: {  	v7 =	vld [tilespmem:$0x170]  }
0x1f: {  	v8 =	vld [tilespmem:$0x180]  }
0x20: {  	v9 =	vld [tilespmem:$0x190]  }
0x21: {  	v10 =	vld [tilespmem:$0x1A0]  }
0x22: {  	v11 =	vld [tilespmem:$0x1B0]  }
0x23: {  	v12 =	vld [tilespmem:$0x1C0]  }
0x24: {  	v13 =	vld [tilespmem:$0x1D0]  }
0x25: {  	v14 =	vld [tilespmem:$0x1E0]  }
0x26: {  	v15 =	vld [tilespmem:$0x1F0]  }
0x27: {  	v16 =	vld [tilespmem:$0x200]  }
0x28: {  	v17 =	vld [tilespmem:$0x210]  }
0x29: {  	v18 =	vld [tilespmem:$0x220]  }
0x2a: {  	v19 =	vld [tilespmem:$0x230]  }
0x2b: {  	v20 =	vld [tilespmem:$0x240]  }
0x2c: {  	v21 =	vld [tilespmem:$0x250]  }
0x2d: {  	v22 =	vld [tilespmem:$0x260]  }
0x2e: {  	v23 =	vld [tilespmem:$0x270]  }
0x2f: {  	v24 =	vld [tilespmem:$0x280]  }
0x30: {  	v25 =	vld [tilespmem:$0x290]  }
0x31: {  	v26 =	vld [tilespmem:$0x2A0]  }
0x32: {  	v27 =	vld [tilespmem:$0x2B0]  }
0x33: {  	v28 =	vld [tilespmem:$0x2C0]  }
0x34: {  	v29 =	vld [tilespmem:$0x2D0]  }
0x35: {  	v30 =	vld [tilespmem:$0x2E0]  }
0x36: {  	v31 =	vld [tilespmem:$0x2F0]  }
0x37: {  	v32 =	vld [tilespmem:$0x300]  }
0x38: {  	v33 =	vld [tilespmem:$0x310]  }
0x39: {  	v34 =	vld [tilespmem:$0x320]  }
0x3a: {  	v35 =	vld [tilespmem:$0x330]  }
0x3b: {  	v36 =	vld [tilespmem:$0x340]  }
0x3c: {  	v37 =	vld [tilespmem:$0x350]  }
0x3d: {  	v38 =	vld [tilespmem:$0x360]  }
0x3e: {  	v39 =	vld [tilespmem:$0x370]  }
0x3f: {  	v40 =	vld [tilespmem:$0x380]  }
0x40: {  	v41 =	vld [tilespmem:$0x390]  }
0x41: {  	v42 =	vld [tilespmem:$0x3A0]  }
0x42: {  	v43 =	vld [tilespmem:$0x3B0]  }
0x43: {  	v44 =	vld [tilespmem:$0x3C0]  }
0x44: {  	v45 =	vld [tilespmem:$0x3D0]  }
0x45: {  	v46 =	vld [tilespmem:$0x3E0]  }
0x46: {  	v47 =	vld [tilespmem:$0x3F0]  }
0x47: {  	v48 =	vld [tilespmem:$0x400]  }
0x48: {  	v49 =	vld [tilespmem:$0x410]  }
0x49: {  	v50 =	vld [tilespmem:$0x420]  }
0x4a: {  	v51 =	vld [tilespmem:$0x430]  }
0x4b: {  	v63 =	vld [tilespmem:$0x4C0]  }
0x4c: {  	v52 =	vld [tilespmem:$0x440]  }
0x4d: {  	v58 =	vld [tilespmem:$0x4A0]  }
0x4e: {  	v60 =	vld [tilespmem:$0x4D0]  }
0x4f: {  	v62 =	vld [tilespmem:$0x4E0]  }
0x50: {  	[tilespmem:$0x1FF50] =	vst v63;
	v63 =	vld [tilespmem:$0x4F0];
	v7 =	vadd.f32 $0.0e+00, v7  }
0x51: {  	v53 =	vld [tilespmem:$0x450]  }
0x52: {  	v54 =	vld [tilespmem:$0x460];
	[tilespmem:$0x1FF40] =	vst v58;
	v7 =	vadd.f32 v15, v7  }
0x53: {  	v55 =	vld [tilespmem:$0x470];
	[tilespmem:$0x1FF60] =	vst v60  }
0x54: {  	v56 =	vld [tilespmem:$0x480];
	[tilespmem:$0x1FF70] =	vst v62;
	v7 =	vadd.f32 v23, v7  }
0x55: {  	s29 =	simm.s32 $0x3;
	v57 =	vld [tilespmem:$0x490];
	[tilespmem:$0x1FF80] =	vst v63  }
0x56: {  	v61 =	vld [tilespmem:$0x4B0];
	_ =	swait.ge [sflag:s29], $0x400;
	v7 =	vadd.f32 v31, v7  }
0x57: {  	[sflag:s29] =	ssyncset.done $0x0  }
0x58: {  	[sflag:s29] =	ssyncadd.s32 $0xFFFFFC00;
	v7 =	vadd.f32 v39, v7;
	v39 =	vld [tilespmem:$0x1FF40]  }
0x59: {  	v58 =	vld [tilespmem:$0x500]  }
0x5a: {  	v59 =	vld [tilespmem:$0x510]  }
0x5b: {  	v62 =	vld [tilespmem:$0x520]  }
0x5c: {  	v0 =	vadd.f32 $0.0e+00, v0;
	v63 =	vld [tilespmem:$0x530]  }
0x5d: {  	v1 =	vadd.f32 $0.0e+00, v1;
	v60 =	vld [tilespmem:$0x540]  }
0x5e: {  	v2 =	vadd.f32 $0.0e+00, v2;
	v0 =	vadd.f32 v8, v0;
	v8 =	vld [tilespmem:$0x5B0]  }
0x5f: {  	v3 =	vadd.f32 $0.0e+00, v3;
	v1 =	vadd.f32 v9, v1;
	v9 =	vld [tilespmem:$0x5C0]  }
0x60: {  	v4 =	vadd.f32 $0.0e+00, v4;
	v2 =	vadd.f32 v10, v2;
	v10 =	vld [tilespmem:$0x5D0]  }
0x61: {  	v5 =	vadd.f32 $0.0e+00, v5;
	v3 =	vadd.f32 v11, v3;
	v11 =	vld [tilespmem:$0x5E0]  }
0x62: {  	v6 =	vadd.f32 $0.0e+00, v6;
	v4 =	vadd.f32 v12, v4;
	v12 =	vld [tilespmem:$0x5F0]  }
0x63: {  	v5 =	vadd.f32 v13, v5;
	v13 =	vld [tilespmem:$0x600]  }
0x64: {  	v6 =	vadd.f32 v14, v6;
	v14 =	vld [tilespmem:$0x610]  }
0x65: {  	v15 =	vld [tilespmem:$0x620]  }
0x66: {  	v0 =	vadd.f32 v16, v0;
	v16 =	vld [tilespmem:$0x630]  }
0x67: {  	v1 =	vadd.f32 v17, v1;
	v17 =	vld [tilespmem:$0x640]  }
0x68: {  	v2 =	vadd.f32 v18, v2;
	v18 =	vld [tilespmem:$0x650]  }
0x69: {  	v3 =	vadd.f32 v19, v3;
	v19 =	vld [tilespmem:$0x660]  }
0x6a: {  	v5 =	vadd.f32 v21, v5;
	v21 =	vld [tilespmem:$0x680]  }
0x6b: {  	v6 =	vadd.f32 v22, v6;
	v22 =	vld [tilespmem:$0x690]  }
0x6c: {  	v23 =	vld [tilespmem:$0x6A0]  }
0x6d: {  	v0 =	vadd.f32 v24, v0;
	v24 =	vld [tilespmem:$0x6B0]  }
0x6e: {  	v1 =	vadd.f32 v25, v1;
	v25 =	vld [tilespmem:$0x6C0]  }
0x6f: {  	v4 =	vadd.f32 v20, v4;
	v2 =	vadd.f32 v26, v2;
	v26 =	vld [tilespmem:$0x6D0]  }
0x70: {  	v3 =	vadd.f32 v27, v3;
	v27 =	vld [tilespmem:$0x6E0]  }
0x71: {  	v4 =	vadd.f32 v28, v4;
	v28 =	vld [tilespmem:$0x6F0]  }
0x72: {  	v5 =	vadd.f32 v29, v5;
	v29 =	vld [tilespmem:$0x700]  }
0x73: {  	v6 =	vadd.f32 v30, v6;
	v30 =	vld [tilespmem:$0x710]  }
0x74: {  	v31 =	vld [tilespmem:$0x720]  }
0x75: {  	v0 =	vadd.f32 v32, v0;
	v32 =	vld [tilespmem:$0x730]  }
0x76: {  	v1 =	vadd.f32 v33, v1;
	v33 =	vld [tilespmem:$0x740]  }
0x77: {  	v2 =	vadd.f32 v34, v2;
	v34 =	vld [tilespmem:$0x750]  }
0x78: {  	v3 =	vadd.f32 v35, v3;
	v35 =	vld [tilespmem:$0x760]  }
0x79: {  	v4 =	vadd.f32 v36, v4;
	v36 =	vld [tilespmem:$0x770]  }
0x7a: {  	v5 =	vadd.f32 v37, v5;
	v37 =	vld [tilespmem:$0x780]  }
0x7b: {  	v6 =	vadd.f32 v38, v6;
	v38 =	vld [tilespmem:$0x790]  }
0x7c: {  	v0 =	vadd.f32 v40, v0;
	v40 =	vld [tilespmem:$0x1FF50]  }
0x7d: {  	[tilespmem:$0x1FF90] =	vst v60;
	v60 =	vld [tilespmem:$0x550]  }
0x7e: {  	v1 =	vadd.f32 v41, v1;
	v41 =	vld [tilespmem:$0x1FF60]  }
0x7f: {  	v2 =	vadd.f32 v42, v2;
	v42 =	vld [tilespmem:$0x1FF70]  }
0x80: {  	v3 =	vadd.f32 v43, v3;
	v43 =	vld [tilespmem:$0x1FF80]  }
0x81: {  	v6 =	vadd.f32 v46, v6;
	v46 =	vld [tilespmem:$0x7B0]  }
0x82: {  	v4 =	vadd.f32 v44, v4;
	[tilespmem:$0x1FFA0] =	vst v60;
	v60 =	vld [tilespmem:$0x560]  }
0x83: {  	v1 =	vadd.f32 v49, v1;
	v49 =	vld [tilespmem:$0x7C0]  }
0x84: {  	v4 =	vadd.f32 v52, v4;
	v52 =	vld [tilespmem:$0x7D0]  }
0x85: {  	v5 =	vadd.f32 v45, v5;
	v6 =	vadd.f32 v54, v6;
	v54 =	vld [tilespmem:$0x7E0]  }
0x86: {  	v7 =	vadd.f32 v47, v7;
	v3 =	vadd.f32 v51, v3;
	v44 =	vld [tilespmem:$0x1FF90]  }
0x87: {  	v0 =	vadd.f32 v48, v0;
	v2 =	vadd.f32 v50, v2;
	[tilespmem:$0x1FFB0] =	vst v60;
	v60 =	vld [tilespmem:$0x570]  }
0x88: {  	v7 =	vadd.f32 v55, v7;
	v55 =	vld [tilespmem:$0x7F0];
	v3 =	vadd.f32 v61, v3  }
0x89: {  	v2 =	vadd.f32 v39, v2;
	v39 =	vld [tilespmem:$0x7A0];
	v4 =	vadd.f32 v40, v4  }
0x8a: {  	v0 =	vadd.f32 v56, v0;
	v56 =	vld [tilespmem:$0x800];
	v3 =	vadd.f32 v63, v3  }
0x8b: {  	v5 =	vadd.f32 v53, v5;
	v4 =	vadd.f32 v44, v4;
	v45 =	vld [tilespmem:$0x1FFA0]  }
0x8c: {  	v1 =	vadd.f32 v57, v1;
	v3 =	vadd.f32 v8, v3;
	[tilespmem:$0x1FFC0] =	vst v60;
	v60 =	vld [tilespmem:$0x580]  }
0x8d: {  	v57 =	vld [tilespmem:$0x810];
	v5 =	vadd.f32 v41, v5;
	v4 =	vadd.f32 v9, v4  }
0x8e: {  	v6 =	vadd.f32 v42, v6;
	v3 =	vadd.f32 v16, v3;
	v47 =	vld [tilespmem:$0x1FFB0]  }
0x8f: {  	v61 =	vld [tilespmem:$0x850];
	v7 =	vadd.f32 v43, v7;
	v4 =	vadd.f32 v17, v4  }
0x90: {  	v40 =	vld [tilespmem:$0x8B0];
	v3 =	vadd.f32 v24, v3;
	v5 =	vadd.f32 v45, v5  }
0x91: {  	v1 =	vadd.f32 v59, v1;
	v4 =	vadd.f32 v25, v4;
	[tilespmem:$0x1FFD0] =	vst v60;
	v60 =	vld [tilespmem:$0x590]  }
0x92: {  	v59 =	vld [tilespmem:$0x830];
	v3 =	vadd.f32 v32, v3;
	v5 =	vadd.f32 v10, v5  }
0x93: {  	v4 =	vadd.f32 v33, v4;
	v33 =	vld [tilespmem:$0x8B0];
	v6 =	vadd.f32 v47, v6  }
0x94: {  	v0 =	vadd.f32 v58, v0;
	v5 =	vadd.f32 v18, v5;
	v48 =	vld [tilespmem:$0x1FFC0]  }
0x95: {  	v3 =	vadd.f32 v46, v3;
	v6 =	vadd.f32 v11, v6;
	v50 =	vld [tilespmem:$0x1FFD0]  }
0x96: {  	v2 =	vadd.f32 v62, v2;
	v5 =	vadd.f32 v26, v5;
	[tilespmem:$0x1FFE0] =	vst v60;
	v60 =	vld [tilespmem:$0x5A0]  }
0x97: {  	v42 =	vld [tilespmem:$0x8C0];
	v3 =	vadd.f32 v59, v3;
	v6 =	vadd.f32 v19, v6  }
0x98: {  	v4 =	vadd.f32 v49, v4;
	v5 =	vadd.f32 v34, v5;
	v51 =	vld [tilespmem:$0x1FFE0]  }
0x99: {  	v58 =	vld [tilespmem:$0x820];
	v3 =	vadd.f32 v33, v3;
	v6 =	vadd.f32 v27, v6  }
0x9a: {  	v62 =	vld [tilespmem:$0x860];
	v7 =	vadd.f32 v48, v7;
	v0 =	vadd.f32 v50, v0  }
0x9b: {  	v5 =	vadd.f32 v52, v5;
	v6 =	vadd.f32 v35, v6;
	[tilespmem:$0x1FFF0] =	vst v60;
	v60 =	vld [tilespmem:$0x670]  }
0x9c: {  	v7 =	vadd.f32 v12, v7;
	v0 =	vadd.f32 v13, v0;
	v53 =	vld [tilespmem:$0x1FFF0]  }
0x9d: {  	v63 =	vld [tilespmem:$0x870];
	v6 =	vadd.f32 v54, v6;
	v1 =	vadd.f32 v51, v1  }
0x9e: {  	v32 =	vld [tilespmem:$0x8A0];
	v41 =	vadd.f32 v61, v5;
	v0 =	vadd.f32 v21, v0  }
0x9f: {  	v45 =	vld [tilespmem:$0x8D0];
	v43 =	vadd.f32 v62, v6;
	v1 =	vadd.f32 v14, v1  }
0xa0: {  	v34 =	vld [tilespmem:$0x8C0];
	v0 =	vadd.f32 v29, v0;
	v7 =	vadd.f32 v60, v7  }
0xa1: {  	v60 =	vld [tilespmem:$0x840];
	v1 =	vadd.f32 v22, v1;
	v2 =	vadd.f32 v53, v2  }
0xa2: {  	v48 =	vld [tilespmem:$0x8E0];
	v0 =	vadd.f32 v37, v0;
	v7 =	vadd.f32 v28, v7  }
0xa3: {  	v28 =	vld [tilespmem:$0x880];
	v1 =	vadd.f32 v30, v1;
	v2 =	vadd.f32 v15, v2  }
0xa4: {  	p0 =	sgt.u32 s1, $0xC;
	s5 =	simm.f32 $-1.600000000e+01;
	v0 =	vadd.f32 v56, v0;
	v30 =	vld [tilespmem:$0x890];
	v7 =	vadd.f32 v36, v7  }
0xa5: {  	p1 =	seq.s32 s1, $0xC;
	s5 =	simm.s32 @!p0 $0x0;
	v1 =	vadd.f32 v38, v1;
	v36 =	vld [tilespmem:$0x8E0];
	v2 =	vadd.f32 v23, v2  }
0xa6: {  	s5 =	simm.s32 @p1 $0xC1000000;
	v38 =	vld [tilespmem:$0x890];
	v4 =	vadd.f32 v60, v4;
	v7 =	vadd.f32 v55, v7  }
0xa7: {  	v50 =	vld [tilespmem:$0x8F0];
	v51 =	vmul.f32 s5, v40;
	v1 =	vadd.f32 v57, v1;
	v2 =	vadd.f32 v31, v2  }
0xa8: {  	v37 =	vld [tilespmem:$0x8F0];
	v0 =	vadd.f32 v28, v0;
	v52 =	vadd.f32 v34, v4  }
0xa9: {  	v44 =	vmul.f32 s5, v28;
	v4 =	vadd.f32 v51, v3;
	v2 =	vadd.f32 v39, v2;
	v39 =	vld [tilespmem:$0x8A0]  }
0xaa: {  	v35 =	vld [tilespmem:$0x8D0];
	v53 =	vmul.f32 s5, v42;
	v46 =	vadd.f32 v63, v7;
	v1 =	vadd.f32 v30, v1  }
0xab: {  	v47 =	vmul.f32 s5, v38;
	v6 =	vadd.f32 v44, v0;
	v56 =	vadd.f32 v36, v43  }
0xac: {  	v57 =	vmul.f32 s5, v48;
	v3 =	vadd.f32 v53, v52;
	[tilespmem:$0xD30] =	vst v4;
	v2 =	vadd.f32 v58, v2  }
0xad: {  	v9 =	vmul.f32 s5, v50;
	v7 =	vadd.f32 v47, v1;
	[tilespmem:$0xD00] =	vst v6;
	v58 =	vadd.f32 v37, v46  }
0xae: {  	[tilespmem:$0xD40] =	vst v3;
	v1 =	vadd.f32 v57, v56;
	v2 =	vadd.f32 v32, v2;
	v49 =	vmul.f32 s5, v39  }
0xaf: {  	v54 =	vadd.f32 v35, v41;
	v55 =	vmul.f32 s5, v45;
	[tilespmem:$0xD10] =	vst v7;
	v0 =	vadd.f32 v9, v58  }
0xb0: {  	[tilespmem:$0xD60] =	vst v1;
	v5 =	vadd.f32 v49, v2  }
0xb1: {  	[tilespmem:$0xD70] =	vst v0;
	v2 =	vadd.f32 v55, v54  }
0xb2: {  	[tilespmem:$0xD20] =	vst v5  }
0xb3: {  	s30 =	simm.s32 $0x1;
	[tilespmem:$0xD50] =	vst v2  }
0xb4: {  	_ =	swait.ge [sflag:s30], $0x400  }
0xb5: {  	[sflag:s30] =	ssyncset.done $0x0  }
0xb6: {  	[sflag:s30] =	ssyncadd.s32 $0xFFFFFC00  }
0xb7: {  	v59 =	vld [tilespmem:$0x900]  }
0xb8: {  	v60 =	vld [tilespmem:$0x910]  }
0xb9: {  	v61 =	vld [tilespmem:$0x920]  }
0xba: {  	v62 =	vld [tilespmem:$0x930]  }
0xbb: {  	v63 =	vld [tilespmem:$0x940]  }
0xbc: {  	v17 =	vld [tilespmem:$0x950]  }
0xbd: {  	v19 =	vld [tilespmem:$0x960]  }
0xbe: {  	v21 =	vld [tilespmem:$0x970]  }
0xbf: {  	v23 =	vld [tilespmem:$0x980]  }
0xc0: {  	v25 =	vld [tilespmem:$0x990]  }
0xc1: {  	v26 =	vld [tilespmem:$0x9A0]  }
0xc2: {  	v28 =	vld [tilespmem:$0x9B0]  }
0xc3: {  	v30 =	vld [tilespmem:$0x9C0]  }
0xc4: {  	v32 =	vld [tilespmem:$0x9D0]  }
0xc5: {  	v34 =	vld [tilespmem:$0x9E0]  }
0xc6: {  	v36 =	vld [tilespmem:$0x9F0]  }
0xc7: {  	vm0 =	vmmov $0x1;
	v39 =	vld [tilespmem:$0xA00]  }
0xc8: {  	vm9 =	vcmask $0x320;
	vm10 =	vcmask $0x720;
	v40 =	vld [tilespmem:$0xA10];
	v8 =	vmul.f32 v59, v6  }
0xc9: {  	vm11 =	vcmask $0xB20;
	v42 =	vld [tilespmem:$0xA20];
	v9 =	vmul.f32 v60, v7;
	v16 =	vmul.f32 v61, v5  }
0xca: {  	v33 =	vimm.s32 $0x76543210;
	v45 =	vld [tilespmem:$0xA30];
	v18 =	vmul.f32 v62, v4;
	v20 =	vmul.f32 v63, v3  }
0xcb: {  	v35 =	vimm.s32 $0xBA98FEDC;
	v47 =	vld [tilespmem:$0xA40];
	v22 =	vmul.f32 v17, v2;
	v24 =	vmul.f32 v19, v1  }
0xcc: {  	v29 =	vimm.s32 $0xFEDCBA98;
	v49 =	vld [tilespmem:$0xA50];
	v27 =	vmul.f32 v21, v0;
	v10 =	vmul.f32 v23, v6  }
0xcd: {  	v31 =	vunpack.c.l.s4.s8 v29;
	v14 =	vld [tilespmem:$0xA60];
	v11 =	vmul.f32 v25, v7;
	v38 =	vmul.f32 v26, v5  }
0xce: {  	v51 =	vimm.s32 $0xDCFE98BA;
	v53 =	vld [tilespmem:$0xA80];
	v41 =	vmul.f32 v28, v4;
	v46 =	vmul.f32 v30, v3  }
0xcf: {  	v37 =	vimm.s32 $0x32107654;
	v55 =	vld [tilespmem:$0xA90];
	v50 =	vmul.f32 v32, v2;
	v52 =	vmul.f32 v34, v1  }
0xd0: {  	v56 =	vimm.s32 $0x54761032;
	v58 =	vld [tilespmem:$0xAA0];
	v57 =	vmul.f32 v36, v0;
	v61 =	vmul.f32 v39, v6  }
0xd1: {  	v13 =	vld [tilespmem:$0xAE0];
	v23 =	vunpack.c.l.s4.s8 v51;
	v62 =	vmul.f32 v40, v7;
	v12 =	vmul.f32 v42, v5  }
0xd2: {  	v59 =	vunpack.c.l.s4.s8 v56;
	v39 =	vmul.f32 v45, v4;
	v45 =	vmul.f32 v47, v3  }
0xd3: {  	v28 =	vld [tilespmem:$0xAF0];
	v49 =	vmul.f32 v49, v2;
	v17 =	vmul.f32 v53, v6;
	v8 =	vadd.f32 v9, v8  }
0xd4: {  	v34 =	vimm.s32 $0xEFCDAB89;
	v25 =	vmul.f32 v55, v7;
	v14 =	vmul.f32 v14, v1  }
0xd5: {  	v19 =	vmul.f32 v58, v5;
	v10 =	vadd.f32 v11, v10;
	v8 =	vadd.f32 v16, v8  }
0xd6: {  	v13 =	vmul.f32 v13, v1;
	v11 =	vadd.f32 v62, v61;
	v16 =	vunpack.c.l.s4.s8 v33  }
0xd7: {  	v23 =	vunpack.c.0.s8.s32 v23;
	v10 =	vadd.f32 v38, v10;
	v8 =	vadd.f32 v18, v8  }
0xd8: {  	v29 =	vld [tilespmem:$0xAD0];
	v11 =	vadd.f32 v12, v11;
	v28 =	vmul.f32 v28, v0;
	v16 =	vunpack.c.0.s8.s32 v16  }
0xd9: {  	v40 =	vld [tilespmem:$0xB00];
	v18 =	vunpack.c.l.s4.s8 v35;
	v10 =	vadd.f32 v41, v10;
	v8 =	vadd.f32 v20, v8  }
0xda: {  	v35 =	vimm.s32 $0x67452301;
	v11 =	vadd.f32 v39, v11;
	v39 =	vld [tilespmem:$0xBE0];
	v20 =	vunpack.c.l.s4.s8 v37  }
0xdb: {  	v63 =	vld [tilespmem:$0xAC0];
	v10 =	vadd.f32 v46, v10;
	v37 =	vunpack.c.l.s4.s8 v34;
	v8 =	vadd.f32 v22, v8  }
0xdc: {  	v53 =	vld [tilespmem:$0xB80];
	v43 =	vunpack.c.0.s8.s32 v18;
	v11 =	vadd.f32 v45, v11;
	v44 =	vunpack.c.0.s8.s32 v20  }
0xdd: {  	v46 =	vld [tilespmem:$0xB20];
	v10 =	vadd.f32 v50, v10;
	v41 =	vunpack.c.0.s8.s32 v37;
	v8 =	vadd.f32 v24, v8  }
0xde: {  	v60 =	vld [tilespmem:$0xAB0];
	v12 =	vadd.f32 v49, v11;
	v37 =	vmul.f32 v29, v2;
	v20 =	vmul.f32 v40, v6  }
0xdf: {  	v50 =	vld [tilespmem:$0xB40];
	v34 =	vmul.f32 v39, v1;
	v9 =	vadd.f32 v27, v8;
	v8 =	vunpack.c.0.s8.s32 v31  }
0xe0: {  	v40 =	vld [tilespmem:$0xBF0];
	v10 =	vadd.f32 v52, v10;
	v24 =	vunpack.c.0.s8.s32 v59;
	v12 =	vadd.f32 v14, v12  }
0xe1: {  	v55 =	vld [tilespmem:$0xB90];
	v59 =	vmul.f32 v63, v3;
	v14 =	vmul.f32 v53, v6;
	v8 =	vand.u32 $0xF, v8  }
0xe2: {  	v33 =	vld [tilespmem:$0xB60];
	v15 =	vmul.f32 v46, v5;
	v10 =	vadd.f32 v57, v10;
	v8 =	vcombine.low v8, v16  }
0xe3: {  	v38 =	vunpack.c.l.s4.s8 v35;
	v23 =	vcombine.low v24, v23;
	v16 =	vcombine.low v44, v43;
	v43 =	vld [tilespmem:$0xB10]  }
0xe4: {  	v17 =	vadd.f32 v25, v17;
	v63 =	vld [tilespmem:$0xBC0];
	v48 =	vperm.xlane v9, v8;
	v36 =	vperm.xlane v10, v8  }
0xe5: {  	v42 =	vunpack.c.0.s8.s32 v38;
	v49 =	vld [tilespmem:$0xC20];
	v18 =	vmul.f32 v50, v3;
	v39 =	vmul.f32 v40, v0  }
0xe6: {  	v22 =	vadd.f32 v9, v48;
	v9 =	vand.u32 $0xF, v16;
	v16 =	vld [tilespmem:$0xA70];
	v30 =	vadd.f32 v10, v36  }
0xe7: {  	v10 =	vand.u32 $0xF, v23;
	v23 =	vcombine.low v42, v41;
	v48 =	vld [tilespmem:$0xB30];
	v42 =	vmul.f32 v55, v7  }
0xe8: {  	v17 =	vadd.f32 v19, v17;
	v41 =	vld [tilespmem:$0xC00];
	v27 =	vmul.f32 v43, v7;
	v54 =	vperm.xlane v22, v9  }
0xe9: {  	v25 =	vmul.f32 v63, v3;
	v43 =	vld [tilespmem:$0xC10];
	v44 =	vperm.xlane v30, v9;
	v14 =	vadd.f32 v42, v14  }
0xea: {  	v46 =	vld [tilespmem:$0xC80];
	v11 =	vand.u32 $0xF, v23;
	v20 =	vadd.f32 v27, v20;
	v22 =	vadd.f32 v22, v54  }
0xeb: {  	v23 =	vld [tilespmem:$0xB70];
	v30 =	vadd.f32 v30, v44;
	v54 =	vmul.f32 v60, v4;
	v16 =	vmul.f32 v16, v0  }
0xec: {  	v57 =	vld [tilespmem:$0xBA0];
	v15 =	vadd.f32 v15, v20;
	v45 =	vmul.f32 v48, v4;
	v20 =	vmul.f32 v49, v5  }
0xed: {  	v38 =	vld [tilespmem:$0xBD0];
	v47 =	vperm.xlane v22, v10;
	v51 =	vperm.xlane v30, v10;
	v58 =	vadd.f32 v54, v17  }
0xee: {  	v60 =	vld [tilespmem:$0xBB0];
	v54 =	vmul.f32 v41, v6;
	v55 =	vmul.f32 v43, v7;
	v12 =	vadd.f32 v16, v12  }
0xef: {  	v48 =	vld [tilespmem:$0xC90];
	v6 =	vmul.f32 v46, v6;
	v15 =	vadd.f32 v45, v15;
	v22 =	vadd.f32 v22, v47  }
0xf0: {  	v31 =	vld [tilespmem:$0xB50];
	v32 =	vmul.f32 v23, v0;
	v30 =	vadd.f32 v30, v51;
	v16 =	vadd.f32 v59, v58  }
0xf1: {  	v47 =	vmul.f32 v57, v5;
	v51 =	vld [tilespmem:$0xCA0];
	v36 =	vperm.xlane v12, v8;
	v15 =	vadd.f32 v18, v15  }
0xf2: {  	v57 =	vld [tilespmem:$0xC40];
	v52 =	vperm.xlane v22, v11;
	v56 =	vperm.xlane v30, v11;
	v16 =	vadd.f32 v37, v16  }
0xf3: {  	v53 =	vld [tilespmem:$0xC30];
	v50 =	vmul.f32 v60, v4;
	v14 =	vadd.f32 v47, v14;
	v12 =	vadd.f32 v12, v36  }
0xf4: {  	v7 =	vmul.f32 v48, v7;
	v22 =	vadd.f32 v22, v52;
	v62 =	vadd.f32 v30, v56;
	v56 =	vld [tilespmem:$0xCB0]  }
0xf5: {  	v58 =	vld [tilespmem:$0xCC0];
	v59 =	vmul.f32 v33, v1;
	v13 =	vadd.f32 v13, v16;
	v14 =	vadd.f32 v50, v14  }
0xf6: {  	v63 =	vld [tilespmem:$0xCD0];
	v52 =	vmul.f32 v31, v2;
	v16 =	vadd.f32 v55, v54;
	v6 =	vadd.f32 v7, v6  }
0xf7: {  	v60 =	vld [tilespmem:$0xC50];
	v5 =	vmul.f32 v51, v5;
	v30 =	vmul.f32 v57, v3;
	v61 =	vnsel vm0, $0x0, v22  }
0xf8: {  	v33 =	vld [tilespmem:$0xC70];
	v16 =	vadd.f32 v20, v16;
	v21 =	vsel vm9, v61, v62;
	v62 =	vmul.f32 v53, v4  }
0xf9: {  	v13 =	vadd.f32 v28, v13;
	v28 =	vld [tilespmem:$0xC60];
	v5 =	vadd.f32 v5, v6;
	v4 =	vmul.f32 v56, v4  }
0xfa: {  	v31 =	vld [tilespmem:$0xCE0];
	v3 =	vmul.f32 v58, v3;
	v15 =	vadd.f32 v52, v15;
	v29 =	vadd.f32 v62, v16  }
0xfb: {  	v14 =	vadd.f32 v25, v14;
	v61 =	vmul.f32 v38, v2;
	v4 =	vadd.f32 v4, v5  }
0xfc: {  	v36 =	vld [tilespmem:$0xCF0];
	v35 =	vmul.f32 v60, v2;
	v7 =	vadd.f32 v59, v15;
	v15 =	vadd.f32 v30, v29  }
0xfd: {  	v2 =	vmul.f32 v63, v2;
	v14 =	vadd.f32 v61, v14;
	v3 =	vadd.f32 v3, v4  }
0xfe: {  	v41 =	vmul.f32 v33, v0;
	v6 =	vmul.f32 v28, v1;
	v38 =	vadd.f32 v35, v15  }
0xff: {  	v37 =	vadd.f32 v34, v14;
	v1 =	vmul.f32 v31, v1;
	v2 =	vadd.f32 v2, v3  }
0x100: {  	v40 =	vperm.xlane v13, v8;
	v5 =	vadd.f32 v32, v7;
	v6 =	vadd.f32 v6, v38  }
0x101: {  	v0 =	vmul.f32 v36, v0;
	v3 =	vadd.f32 v39, v37;
	v1 =	vadd.f32 v1, v2  }
0x102: {  	vm12 =	vcmask $0xF20;
	v43 =	vperm.xlane v5, v8;
	v6 =	vadd.f32 v41, v6  }
0x103: {  	v42 =	vadd.f32 v13, v40;
	v45 =	vperm.xlane v3, v8;
	v0 =	vadd.f32 v0, v1  }
0x104: {  	v44 =	vperm.xlane v12, v9;
	v4 =	vadd.f32 v5, v43;
	v47 =	vperm.xlane v6, v8  }
0x105: {  	v46 =	vperm.xlane v42, v9;
	v3 =	vadd.f32 v3, v45;
	v8 =	vperm.xlane v0, v8  }
0x106: {  	v12 =	vadd.f32 v12, v44;
	v48 =	vperm.xlane v4, v9;
	v5 =	vadd.f32 v6, v47  }
0x107: {  	v1 =	vadd.f32 v42, v46;
	v50 =	vperm.xlane v3, v9;
	v0 =	vadd.f32 v0, v8  }
0x108: {  	v44 =	vperm.xlane v12, v10;
	v2 =	vadd.f32 v4, v48;
	v52 =	vperm.xlane v5, v9  }
0x109: {  	v51 =	vperm.xlane v1, v10;
	v3 =	vadd.f32 v3, v50;
	v53 =	vperm.xlane v0, v9  }
0x10a: {  	v7 =	vadd.f32 v12, v44;
	v54 =	vperm.xlane v2, v10;
	v4 =	vadd.f32 v5, v52  }
0x10b: {  	v1 =	vadd.f32 v1, v51;
	v55 =	vperm.xlane v3, v10;
	v0 =	vadd.f32 v0, v53  }
0x10c: {  	v49 =	vperm.xlane v7, v11;
	v2 =	vadd.f32 v2, v54;
	v57 =	vperm.xlane v4, v10  }
0x10d: {  	v56 =	vperm.xlane v1, v11;
	v3 =	vadd.f32 v3, v55;
	v58 =	vperm.xlane v0, v10  }
0x10e: {  	v6 =	vadd.f32 v7, v49;
	v59 =	vperm.xlane v2, v11;
	v4 =	vadd.f32 v4, v57  }
0x10f: {  	v1 =	vadd.f32 v1, v56;
	v60 =	vperm.xlane v3, v11;
	v0 =	vadd.f32 v0, v58  }
0x110: {  	v6 =	vsel vm10, v21, v6;
	v2 =	vadd.f32 v2, v59;
	v61 =	vperm.xlane v4, v11  }
0x111: {  	v1 =	vsel vm11, v6, v1;
	v3 =	vadd.f32 v3, v60;
	v62 =	vperm.xlane v0, v11  }
0x112: {  	vm13 =	vcmask $0x1320;
	v1 =	vsel vm12, v1, v2;
	v63 =	vadd.f32 v4, v61  }
0x113: {  	vm14 =	vcmask $0x1720;
	v1 =	vsel vm13, v1, v3;
	v0 =	vadd.f32 v0, v62  }
0x114: {  	vm15 =	vcmask $0x1B20;
	v1 =	vsel vm14, v1, v63  }
0x115: {  	v0 =	vsel vm15, v1, v0  }
0x116: {  	s31 =	simm.s32 $0xD80;
	s3 =	sadd.s32 s3, s1;
	[tilespmem:$0xD80] =	vst v0  }
0x117: {  	[hbm4b:s3+s2] =	stream.linear.scatter [tilespmem:s31], [sflag:$0x4], $0x8, $0x38;
	[tilespmem:$0xE00] =	vst v63  }
0x118: {  	_ =	swait.ge [sflag:s23], $0x8  }
0x119: {  	[sflag:s23] =	ssyncset.done $0x0  }
0x11a: {  	[sflag:s23] =	ssyncadd.s32 $0xFFFFFFF8  }
0x11b: {  	_ =	sfence.sel $0x180000  }
0x11c: {  	[bflag:$0x0] =	sbarrier.arrive $0xFFFF  }
0x11d: {  	p0 =	sne.s32 s1, $0x0;
	_ =	strace $0x90000047  }
0x11e: {  	s0 =	sadd.s32 @!p0 $0x100000, s0;
	[bflag:$0x2] =	sbarrier.arrive $0xFFFF  }
0x11f: {  	[sflag:s0] =	ssyncadd.tile.s32 @!p0 $0x1;
	_ =	shalt  }
.Lfunc_end2:
_tile_overlayer_lowered:
.L_overlay_start_2:
0x120: {  	(tag) =	ssettag $0x2  }
0x121: {  	s0 =	rddreg [dreg:$0x0];
	s2 =	stileid.u32  }
0x122: {  	s1 =	rddreg [dreg:$0x1];
	p0 =	sne.s32 s2, $0x0  }
0x123: {  	s3 =	rddreg [dreg:$0x2];
	[bflag:$0x3] =	sbarrier.arrive $0xFFFF;
	s2 =	simm.s32 @!p0 $0x1C04  }
0x124: {  	[timem:s3], [sflag:s2] =	dma.local @!p0 [hbm:s0], s1  }
0x125: {  	s0 =	simm.s32 @!p0 $0x4  }
0x126: {  	_ =	swait.ge @!p0 [sflag:s0], s1  }
0x127: {  	s1 =	ssub.s32 @!p0 $0x0, s1;
	[sflag:s0] =	ssyncset.done @!p0 $0x0  }
0x128: {  	[sflag:s0] =	ssyncadd.s32 @!p0 s1  }
0x129: {  	[bflag:$0x3] =	sbarrier.arrive $0xFFFF  }
0x12a: {  	_ =	shalt  }

</sc_bundles>
